<compile_context>
chip_gen: v7x
topology: tpu7x:2x2x1
jax: 0.10.2.dev20260603
libtpu: 0.0.44.dev20260713+nightly
codegen_flags: <defaults>
</compile_context>

<pallas_src>
import jax
import jax.numpy as jnp
from jax.experimental import pallas as pl
from jax.experimental.pallas import tpu as pltpu

LAT_H = 48
LAT_W = 80
POOL_H = 8
POOL_W = 16
VIS_LEN = 30720
N_HEADS = 12
HEAD_DIM = 64
SPARSITY = 0.9

_PARTS = VIS_LEN // (LAT_W * POOL_H)
_B = POOL_H
_C = LAT_W // POOL_W
_CHUNK = POOL_W
_S = _PARTS * _C
_N = _S * _S
_KCNT = int((1.0 - (1.0 - SPARSITY)) * _N)


def _permute_pool_body(x_ref, xr_ref, xp_ref, sem):
    p = pl.program_id(0)
    copies = []
    for c in range(_C):
        cp = pltpu.make_async_copy(
            x_ref.at[:, pl.ds(c * _CHUNK, _CHUNK)],
            xr_ref.at[pl.ds(p * _B * _C + c * _B, _B)],
            sem)
        cp.start()
        copies.append(cp)
    for c in range(_C):
        sl = pl.ds(c * _CHUNK, _CHUNK)
        xp_ref[pl.ds(c, 1)] = jnp.sum(x_ref[:, sl], axis=(0, 1))[None]
    for cp in copies:
        cp.wait()


def _permute_body(x_ref, xr_ref, sem):
    p = pl.program_id(0)
    copies = []
    for c in range(_C):
        cp = pltpu.make_async_copy(
            x_ref.at[:, pl.ds(c * _CHUNK, _CHUNK)],
            xr_ref.at[pl.ds(p * _B * _C + c * _B, _B)],
            sem)
        cp.start()
        copies.append(cp)
    for cp in copies:
        cp.wait()


def _attn_mask_body(qp_ref, kp_ref, m_ref):
    qh = qp_ref[0]
    kh = kp_ref[0]
    s = jax.lax.dot_general(qh, kh, (((1,), (1,)), ((), ())),
                            preferred_element_type=jnp.float32)
    s = s * jnp.float32(2.0 ** -17)
    mx = jnp.max(s, axis=-1, keepdims=True)
    e = jnp.exp(s - mx)
    attn = e / jnp.sum(e, axis=-1, keepdims=True)
    bits = jax.lax.bitcast_convert_type(attn, jnp.int32)

    def body(i, ans):
        bit = jnp.int32(30) - i
        cand = ans | jax.lax.shift_left(jnp.int32(1), bit)
        cnt = jnp.sum((bits < cand).astype(jnp.int32))
        return jnp.where(cnt < _KCNT, cand, ans)

    ans = jax.lax.fori_loop(0, 31, body, jnp.int32(0))
    thr = jax.lax.bitcast_convert_type(ans, jnp.float32)
    m_ref[0] = (attn >= thr).astype(jnp.int8)


def kernel(q, k, v, cu_seqlens_q, cu_seqlens_kv, max_seqlen_q, max_seqlen_kv):
    L, H, D = q.shape

    nrow_in = L // LAT_W
    q4 = q.reshape(nrow_in, LAT_W, H, D)
    k4 = k.reshape(nrow_in, LAT_W, H, D)
    v4 = v.reshape(nrow_in, LAT_W, H, D)

    in_spec = pl.BlockSpec((_B, LAT_W, H, D), lambda p: (p, 0, 0, 0))
    any_spec = pl.BlockSpec(memory_space=pl.ANY)
    pool_spec = pl.BlockSpec((_C, H, D), lambda p: (p, 0, 0))

    out4_t = jax.ShapeDtypeStruct((L // _CHUNK, _CHUNK, H, D), jnp.float32)
    pool_t = jax.ShapeDtypeStruct((_S, H, D), jnp.float32)
    permute_pool = pl.pallas_call(
        _permute_pool_body,
        grid=(_PARTS,),
        in_specs=[in_spec],
        out_specs=[any_spec, pool_spec],
        out_shape=[out4_t, pool_t],
        scratch_shapes=[pltpu.SemaphoreType.DMA],
    )
    permute = pl.pallas_call(
        _permute_body,
        grid=(_PARTS,),
        in_specs=[in_spec],
        out_specs=[any_spec],
        out_shape=[out4_t],
        scratch_shapes=[pltpu.SemaphoreType.DMA],
    )
    qr4, qp = permute_pool(q4)
    kr4, kp = permute_pool(k4)
    (vr4,) = permute(v4)

    q_r = qr4.reshape(L, H, D)
    k_r = kr4.reshape(L, H, D)
    v_r = vr4.reshape(L, H, D)

    qp_h = qp.transpose(1, 0, 2)
    kp_h = kp.transpose(1, 0, 2)

    head_spec = pl.BlockSpec((1, _S, D), lambda h: (h, 0, 0))
    mask_i8 = pl.pallas_call(
        _attn_mask_body,
        grid=(H,),
        in_specs=[head_spec, head_spec],
        out_specs=pl.BlockSpec((1, _S, _S), lambda h: (h, 0, 0)),
        out_shape=jax.ShapeDtypeStruct((H, _S, _S), jnp.int8),
    )(qp_h, kp_h)

    mask = mask_i8.astype(bool).reshape(1, H, _S, _S)
    return (q_r, k_r, v_r, mask)

# --- scband reference (transcript-rebuilt; emitter-appended) ---
"""Pipeline reference for scband-draft-attention-8160437862549 (READ-ONLY COPY).

The authoritative reference and input builder live on the scoring server;
editing this copy changes nothing except your own understanding.
"""

import jax, jax.numpy as jnp
import numpy as np
import math

POOL_H = 8
POOL_W = 16
LAT_H = 48
LAT_W = 80
VIS_LEN = 30720
TEXT_LEN = 0
SPARSITY = 0.9
N_HEADS = 12
HEAD_DIM = 64


def _gen_reorg_idx():
    part_size = LAT_W * POOL_H
    block_size = LAT_W
    sub_block_size = POOL_W
    num_parts = VIS_LEN // part_size
    blocks_per_part = part_size // block_size
    subs_per_block = block_size // sub_block_size
    pattern = []
    for c in range(subs_per_block):
        for b in range(blocks_per_part):
            start = b * block_size + c * sub_block_size
            pattern.extend(range(start, start + sub_block_size))
    pattern = np.asarray(pattern, dtype=np.int64)
    idx = np.concatenate([pattern + p * part_size for p in range(num_parts)])
    return jnp.asarray(idx)

REORG_IDX = _gen_reorg_idx()


def setup_inputs(seed: int = 0) -> dict:
    key = jax.random.key(seed)
    kq, kk, kv = jax.random.split(key, 3)
    q = jax.random.normal(kq, (VIS_LEN, N_HEADS, HEAD_DIM), dtype=jnp.float32)
    k = jax.random.normal(kk, (VIS_LEN, N_HEADS, HEAD_DIM), dtype=jnp.float32)
    v = jax.random.normal(kv, (VIS_LEN, N_HEADS, HEAD_DIM), dtype=jnp.float32)
    cu = jnp.array([0, VIS_LEN], dtype=jnp.int32)
    return {"q": q, "k": k, "v": v, "cu_seqlens_q": cu, "cu_seqlens_kv": cu,
            "max_seqlen_q": VIS_LEN, "max_seqlen_kv": VIS_LEN}


def _sample_qk_attention_2d(q, k):
    L, H, D = q.shape
    num_frames = L // (LAT_H * LAT_W)
    S_h = LAT_H // POOL_H
    S_w = LAT_W // POOL_W

    def pool(x):
        x = x.reshape(num_frames, S_h, POOL_H, S_w, POOL_W, H, D)
        return x.mean(axis=(2, 4))  # exact avg_pool2d (dims divide evenly)

    qp = pool(q)
    kp = pool(k)
    S = num_frames * S_h * S_w
    q_heads = qp.reshape(S, H, D).transpose(1, 0, 2)
    k_heads = kp.reshape(S, H, D).transpose(1, 0, 2)
    scores = jnp.einsum('hld,hmd->hlm', q_heads, k_heads) / math.sqrt(D)
    return jax.nn.softmax(scores, axis=-1)


def _percentile_mask_headwise(attn_map, r):
    H, S, _ = attn_map.shape
    n = S * S
    kcnt = int((1.0 - r) * n)
    if kcnt == 0:
        return jnp.ones_like(attn_map, dtype=bool)
    if kcnt >= n:
        return jnp.zeros_like(attn_map, dtype=bool)
    flat = attn_map.reshape(H, -1)
    # threshold = max of the kcnt smallest values = kcnt-th smallest
    thr = jnp.sort(flat, axis=1)[:, kcnt - 1]
    return attn_map >= thr[:, None, None]


def reference(q, k, v, cu_seqlens_q, cu_seqlens_kv, max_seqlen_q, max_seqlen_kv):
    L, H, D = q.shape
    attn = _sample_qk_attention_2d(q, k)
    S1, S2 = attn.shape[1], attn.shape[2]
    m_block_dim = (VIS_LEN + S1 - 1) // S1
    n_block_dim = (VIS_LEN + S2 - 1) // S2
    q_block_num = (VIS_LEN + m_block_dim - 1) // m_block_dim
    k_block_num = (VIS_LEN + n_block_dim - 1) // n_block_dim
    mask = _percentile_mask_headwise(attn, 1.0 - SPARSITY)
    B = cu_seqlens_q.shape[0] - 1
    mask_b = jnp.broadcast_to(mask[None], (B, H, S1, S2))
    base_blockmask = jnp.ones((B, H, q_block_num, k_block_num), dtype=bool)
    base_blockmask = base_blockmask.at[:, :, :S1, :S2].set(mask_b)
    q_r = jnp.take(q, REORG_IDX, axis=0)
    k_r = jnp.take(k, REORG_IDX, axis=0)
    v_r = jnp.take(v, REORG_IDX, axis=0)
    q_r = q_r + (jnp.asarray(max_seqlen_q) * 0).astype(q_r.dtype)
    k_r = k_r + (jnp.asarray(max_seqlen_kv) * 0).astype(k_r.dtype)
    return (q_r, k_r, v_r, base_blockmask)

if __name__ == "__main__":
    import jax
    _d = setup_inputs()
    print(jax.jit(kernel)(*tuple(_d.values())))

</pallas_src>

<mosaic_0001>
module attributes {stable_mosaic.version = 14 : i64} {
  func.func @_permute_pool_body(%arg0: i32, %arg1: memref<8x80x12x64xf32, #tpu.memory_space<vmem>>, %arg2: memref<1920x16x12x64xf32, #tpu.memory_space<any>>, %arg3: memref<5x12x64xf32, #tpu.memory_space<vmem>>, %arg4: memref<!tpu.dma_semaphore, #tpu.memory_space<semaphore_mem>>) attributes {dimension_semantics = [#tpu.dimension_semantics<arbitrary>], iteration_bounds = array<i64: 48>, scalar_prefetch = 0 : i64, scratch_operands = 1 : i64, tpu.core_type = #tpu.core_type<tc>, window_params = [{transform_indices = @transform_0, window_bounds = array<i64: 8, 80, 12, 64>}, {}, {transform_indices = @transform_2, window_bounds = array<i64: 5, 12, 64>}]} {
    %mul3A = arith.constant 8 : i32
    %mul3A_0 = arith.muli %arg0, %mul3A : i32
    %mul3A_1 = arith.constant 5 : i32
    %mul3A_2 = arith.muli %mul3A_0, %mul3A_1 : i32
    %add3A = arith.constant 0 : i32
    %add3A_3 = arith.addi %mul3A_2, %add3A : i32
    %dma_start3A = arith.constant 0 : i32
    %dma_start3A_4 = arith.constant 0 : i32
    %dma_start3A_5 = arith.constant 0 : i32
    %dma_start3A_6 = tpu.memref_slice %arg2[%add3A_3, %dma_start3A, %dma_start3A_4, %dma_start3A_5] : memref<1920x16x12x64xf32, #tpu.memory_space<any>> -> memref<8x16x12x64xf32, #tpu.memory_space<any>>
    %dma_start3A_7 = arith.constant 0 : i32
    %dma_start3A_8 = arith.constant 0 : i32
    %dma_start3A_9 = arith.constant 0 : i32
    %dma_start3A_10 = arith.constant 0 : i32
    %dma_start3A_11 = tpu.memref_slice %arg1[%dma_start3A_7, %dma_start3A_8, %dma_start3A_9, %dma_start3A_10] : memref<8x80x12x64xf32, #tpu.memory_space<vmem>> -> memref<8x16x12x64xf32, #tpu.memory_space<vmem>>
    tpu.enqueue_dma source(%dma_start3A_11 : memref<8x16x12x64xf32, #tpu.memory_space<vmem>>) target(%dma_start3A_6 : memref<8x16x12x64xf32, #tpu.memory_space<any>>) target_semaphore(%arg4 : memref<!tpu.dma_semaphore, #tpu.memory_space<semaphore_mem>>)
    %mul3A_12 = arith.constant 8 : i32
    %mul3A_13 = arith.muli %arg0, %mul3A_12 : i32
    %mul3A_14 = arith.constant 5 : i32
    %mul3A_15 = arith.muli %mul3A_13, %mul3A_14 : i32
    %add3A_16 = arith.constant 8 : i32
    %add3A_17 = arith.addi %mul3A_15, %add3A_16 : i32
    %dma_start3A_18 = arith.constant 0 : i32
    %dma_start3A_19 = arith.constant 0 : i32
    %dma_start3A_20 = arith.constant 0 : i32
    %dma_start3A_21 = tpu.memref_slice %arg2[%add3A_17, %dma_start3A_18, %dma_start3A_19, %dma_start3A_20] : memref<1920x16x12x64xf32, #tpu.memory_space<any>> -> memref<8x16x12x64xf32, #tpu.memory_space<any>>
    %dma_start3A_22 = arith.constant 0 : i32
    %dma_start3A_23 = arith.constant 16 : i32
    %dma_start3A_24 = arith.constant 0 : i32
    %dma_start3A_25 = arith.constant 0 : i32
    %dma_start3A_26 = tpu.memref_slice %arg1[%dma_start3A_22, %dma_start3A_23, %dma_start3A_24, %dma_start3A_25] : memref<8x80x12x64xf32, #tpu.memory_space<vmem>> -> memref<8x16x12x64xf32, #tpu.memory_space<vmem>>
    tpu.enqueue_dma source(%dma_start3A_26 : memref<8x16x12x64xf32, #tpu.memory_space<vmem>>) target(%dma_start3A_21 : memref<8x16x12x64xf32, #tpu.memory_space<any>>) target_semaphore(%arg4 : memref<!tpu.dma_semaphore, #tpu.memory_space<semaphore_mem>>)
    %mul3A_27 = arith.constant 8 : i32
    %mul3A_28 = arith.muli %arg0, %mul3A_27 : i32
    %mul3A_29 = arith.constant 5 : i32
    %mul3A_30 = arith.muli %mul3A_28, %mul3A_29 : i32
    %add3A_31 = arith.constant 16 : i32
    %add3A_32 = arith.addi %mul3A_30, %add3A_31 : i32
    %dma_start3A_33 = arith.constant 0 : i32
    %dma_start3A_34 = arith.constant 0 : i32
    %dma_start3A_35 = arith.constant 0 : i32
    %dma_start3A_36 = tpu.memref_slice %arg2[%add3A_32, %dma_start3A_33, %dma_start3A_34, %dma_start3A_35] : memref<1920x16x12x64xf32, #tpu.memory_space<any>> -> memref<8x16x12x64xf32, #tpu.memory_space<any>>
    %dma_start3A_37 = arith.constant 0 : i32
    %dma_start3A_38 = arith.constant 32 : i32
    %dma_start3A_39 = arith.constant 0 : i32
    %dma_start3A_40 = arith.constant 0 : i32
    %dma_start3A_41 = tpu.memref_slice %arg1[%dma_start3A_37, %dma_start3A_38, %dma_start3A_39, %dma_start3A_40] : memref<8x80x12x64xf32, #tpu.memory_space<vmem>> -> memref<8x16x12x64xf32, #tpu.memory_space<vmem>>
    tpu.enqueue_dma source(%dma_start3A_41 : memref<8x16x12x64xf32, #tpu.memory_space<vmem>>) target(%dma_start3A_36 : memref<8x16x12x64xf32, #tpu.memory_space<any>>) target_semaphore(%arg4 : memref<!tpu.dma_semaphore, #tpu.memory_space<semaphore_mem>>)
    %mul3A_42 = arith.constant 8 : i32
    %mul3A_43 = arith.muli %arg0, %mul3A_42 : i32
    %mul3A_44 = arith.constant 5 : i32
    %mul3A_45 = arith.muli %mul3A_43, %mul3A_44 : i32
    %add3A_46 = arith.constant 24 : i32
    %add3A_47 = arith.addi %mul3A_45, %add3A_46 : i32
    %dma_start3A_48 = arith.constant 0 : i32
    %dma_start3A_49 = arith.constant 0 : i32
    %dma_start3A_50 = arith.constant 0 : i32
    %dma_start3A_51 = tpu.memref_slice %arg2[%add3A_47, %dma_start3A_48, %dma_start3A_49, %dma_start3A_50] : memref<1920x16x12x64xf32, #tpu.memory_space<any>> -> memref<8x16x12x64xf32, #tpu.memory_space<any>>
    %dma_start3A_52 = arith.constant 0 : i32
    %dma_start3A_53 = arith.constant 48 : i32
    %dma_start3A_54 = arith.constant 0 : i32
    %dma_start3A_55 = arith.constant 0 : i32
    %dma_start3A_56 = tpu.memref_slice %arg1[%dma_start3A_52, %dma_start3A_53, %dma_start3A_54, %dma_start3A_55] : memref<8x80x12x64xf32, #tpu.memory_space<vmem>> -> memref<8x16x12x64xf32, #tpu.memory_space<vmem>>
    tpu.enqueue_dma source(%dma_start3A_56 : memref<8x16x12x64xf32, #tpu.memory_space<vmem>>) target(%dma_start3A_51 : memref<8x16x12x64xf32, #tpu.memory_space<any>>) target_semaphore(%arg4 : memref<!tpu.dma_semaphore, #tpu.memory_space<semaphore_mem>>)
    %mul3A_57 = arith.constant 8 : i32
    %mul3A_58 = arith.muli %arg0, %mul3A_57 : i32
    %mul3A_59 = arith.constant 5 : i32
    %mul3A_60 = arith.muli %mul3A_58, %mul3A_59 : i32
    %add3A_61 = arith.constant 32 : i32
    %add3A_62 = arith.addi %mul3A_60, %add3A_61 : i32
    %dma_start3A_63 = arith.constant 0 : i32
    %dma_start3A_64 = arith.constant 0 : i32
    %dma_start3A_65 = arith.constant 0 : i32
    %dma_start3A_66 = tpu.memref_slice %arg2[%add3A_62, %dma_start3A_63, %dma_start3A_64, %dma_start3A_65] : memref<1920x16x12x64xf32, #tpu.memory_space<any>> -> memref<8x16x12x64xf32, #tpu.memory_space<any>>
    %dma_start3A_67 = arith.constant 0 : i32
    %dma_start3A_68 = arith.constant 64 : i32
    %dma_start3A_69 = arith.constant 0 : i32
    %dma_start3A_70 = arith.constant 0 : i32
    %dma_start3A_71 = tpu.memref_slice %arg1[%dma_start3A_67, %dma_start3A_68, %dma_start3A_69, %dma_start3A_70] : memref<8x80x12x64xf32, #tpu.memory_space<vmem>> -> memref<8x16x12x64xf32, #tpu.memory_space<vmem>>
    tpu.enqueue_dma source(%dma_start3A_71 : memref<8x16x12x64xf32, #tpu.memory_space<vmem>>) target(%dma_start3A_66 : memref<8x16x12x64xf32, #tpu.memory_space<any>>) target_semaphore(%arg4 : memref<!tpu.dma_semaphore, #tpu.memory_space<semaphore_mem>>)
    %get3A = arith.constant 0 : index
    %get3A_72 = arith.constant 0 : index
    %get3A_73 = arith.constant 0 : index
    %get3A_74 = arith.constant 0 : index
    %get3A_75 = vector.load %arg1[%get3A, %get3A_72, %get3A_73, %get3A_74] : memref<8x80x12x64xf32, #tpu.memory_space<vmem>>, vector<8x16x12x64xf32>
    %reduce_sum3A = arith.constant dense<0.000000e+00> : vector<12x64xf32>
    %reduce_sum3A_76 = vector.multi_reduction <add>, %get3A_75, %reduce_sum3A [0, 1] : vector<8x16x12x64xf32> to vector<12x64xf32>
    %broadcast_in_dim3A = vector.shape_cast %reduce_sum3A_76 : vector<12x64xf32> to vector<1x12x64xf32>
    %swap3A = arith.constant 0 : index
    %swap3A_77 = arith.constant 0 : index
    %swap3A_78 = arith.constant 0 : index
    %swap3A_79 = vector.load %arg3[%swap3A, %swap3A_77, %swap3A_78] : memref<5x12x64xf32, #tpu.memory_space<vmem>>, vector<1x12x64xf32>
    tpu.vector_store %arg3[%swap3A, %swap3A_77, %swap3A_78], %broadcast_in_dim3A {strides = array<i32>} : memref<5x12x64xf32, #tpu.memory_space<vmem>>, vector<1x12x64xf32>,
    %get3A_80 = arith.constant 0 : index
    %get3A_81 = arith.constant 16 : index
    %get3A_82 = arith.constant 0 : index
    %get3A_83 = arith.constant 0 : index
    %get3A_84 = vector.load %arg1[%get3A_80, %get3A_81, %get3A_82, %get3A_83] : memref<8x80x12x64xf32, #tpu.memory_space<vmem>>, vector<8x16x12x64xf32>
    %reduce_sum3A_85 = arith.constant dense<0.000000e+00> : vector<12x64xf32>
    %reduce_sum3A_86 = vector.multi_reduction <add>, %get3A_84, %reduce_sum3A_85 [0, 1] : vector<8x16x12x64xf32> to vector<12x64xf32>
    %broadcast_in_dim3A_87 = vector.shape_cast %reduce_sum3A_86 : vector<12x64xf32> to vector<1x12x64xf32>
    %swap3A_88 = arith.constant 1 : index
    %swap3A_89 = arith.constant 0 : index
    %swap3A_90 = arith.constant 0 : index
    %swap3A_91 = vector.load %arg3[%swap3A_88, %swap3A_89, %swap3A_90] : memref<5x12x64xf32, #tpu.memory_space<vmem>>, vector<1x12x64xf32>
    tpu.vector_store %arg3[%swap3A_88, %swap3A_89, %swap3A_90], %broadcast_in_dim3A_87 {strides = array<i32>} : memref<5x12x64xf32, #tpu.memory_space<vmem>>, vector<1x12x64xf32>,
    %get3A_92 = arith.constant 0 : index
    %get3A_93 = arith.constant 32 : index
    %get3A_94 = arith.constant 0 : index
    %get3A_95 = arith.constant 0 : index
    %get3A_96 = vector.load %arg1[%get3A_92, %get3A_93, %get3A_94, %get3A_95] : memref<8x80x12x64xf32, #tpu.memory_space<vmem>>, vector<8x16x12x64xf32>
    %reduce_sum3A_97 = arith.constant dense<0.000000e+00> : vector<12x64xf32>
    %reduce_sum3A_98 = vector.multi_reduction <add>, %get3A_96, %reduce_sum3A_97 [0, 1] : vector<8x16x12x64xf32> to vector<12x64xf32>
    %broadcast_in_dim3A_99 = vector.shape_cast %reduce_sum3A_98 : vector<12x64xf32> to vector<1x12x64xf32>
    %swap3A_100 = arith.constant 2 : index
    %swap3A_101 = arith.constant 0 : index
    %swap3A_102 = arith.constant 0 : index
    %swap3A_103 = vector.load %arg3[%swap3A_100, %swap3A_101, %swap3A_102] : memref<5x12x64xf32, #tpu.memory_space<vmem>>, vector<1x12x64xf32>
    tpu.vector_store %arg3[%swap3A_100, %swap3A_101, %swap3A_102], %broadcast_in_dim3A_99 {strides = array<i32>} : memref<5x12x64xf32, #tpu.memory_space<vmem>>, vector<1x12x64xf32>,
    %get3A_104 = arith.constant 0 : index
    %get3A_105 = arith.constant 48 : index
    %get3A_106 = arith.constant 0 : index
    %get3A_107 = arith.constant 0 : index
    %get3A_108 = vector.load %arg1[%get3A_104, %get3A_105, %get3A_106, %get3A_107] : memref<8x80x12x64xf32, #tpu.memory_space<vmem>>, vector<8x16x12x64xf32>
    %reduce_sum3A_109 = arith.constant dense<0.000000e+00> : vector<12x64xf32>
    %reduce_sum3A_110 = vector.multi_reduction <add>, %get3A_108, %reduce_sum3A_109 [0, 1] : vector<8x16x12x64xf32> to vector<12x64xf32>
    %broadcast_in_dim3A_111 = vector.shape_cast %reduce_sum3A_110 : vector<12x64xf32> to vector<1x12x64xf32>
    %swap3A_112 = arith.constant 3 : index
    %swap3A_113 = arith.constant 0 : index
    %swap3A_114 = arith.constant 0 : index
    %swap3A_115 = vector.load %arg3[%swap3A_112, %swap3A_113, %swap3A_114] : memref<5x12x64xf32, #tpu.memory_space<vmem>>, vector<1x12x64xf32>
    tpu.vector_store %arg3[%swap3A_112, %swap3A_113, %swap3A_114], %broadcast_in_dim3A_111 {strides = array<i32>} : memref<5x12x64xf32, #tpu.memory_space<vmem>>, vector<1x12x64xf32>,
    %get3A_116 = arith.constant 0 : index
    %get3A_117 = arith.constant 64 : index
    %get3A_118 = arith.constant 0 : index
    %get3A_119 = arith.constant 0 : index
    %get3A_120 = vector.load %arg1[%get3A_116, %get3A_117, %get3A_118, %get3A_119] : memref<8x80x12x64xf32, #tpu.memory_space<vmem>>, vector<8x16x12x64xf32>
    %reduce_sum3A_121 = arith.constant dense<0.000000e+00> : vector<12x64xf32>
    %reduce_sum3A_122 = vector.multi_reduction <add>, %get3A_120, %reduce_sum3A_121 [0, 1] : vector<8x16x12x64xf32> to vector<12x64xf32>
    %broadcast_in_dim3A_123 = vector.shape_cast %reduce_sum3A_122 : vector<12x64xf32> to vector<1x12x64xf32>
    %swap3A_124 = arith.constant 4 : index
    %swap3A_125 = arith.constant 0 : index
    %swap3A_126 = arith.constant 0 : index
    %swap3A_127 = vector.load %arg3[%swap3A_124, %swap3A_125, %swap3A_126] : memref<5x12x64xf32, #tpu.memory_space<vmem>>, vector<1x12x64xf32>
    tpu.vector_store %arg3[%swap3A_124, %swap3A_125, %swap3A_126], %broadcast_in_dim3A_123 {strides = array<i32>} : memref<5x12x64xf32, #tpu.memory_space<vmem>>, vector<1x12x64xf32>,
    %dma_wait3A = arith.constant 0 : i32
    %dma_wait3A_128 = arith.constant 0 : i32
    %dma_wait3A_129 = arith.constant 0 : i32
    %dma_wait3A_130 = tpu.memref_slice %arg2[%add3A_3, %dma_wait3A, %dma_wait3A_128, %dma_wait3A_129] : memref<1920x16x12x64xf32, #tpu.memory_space<any>> -> memref<8x16x12x64xf32, #tpu.memory_space<any>>
    %dma_wait3A_131 = arith.constant 0 : i32
    %dma_wait3A_132 = arith.constant 0 : i32
    %dma_wait3A_133 = arith.constant 0 : i32
    %dma_wait3A_134 = arith.constant 0 : i32
    %dma_wait3A_135 = tpu.memref_slice %arg1[%dma_wait3A_131, %dma_wait3A_132, %dma_wait3A_133, %dma_wait3A_134] : memref<8x80x12x64xf32, #tpu.memory_space<vmem>> -> memref<8x16x12x64xf32, #tpu.memory_space<vmem>>
    tpu.wait_dma2 semaphore(%arg4 : memref<!tpu.dma_semaphore, #tpu.memory_space<semaphore_mem>>) src(%dma_wait3A_135 : memref<8x16x12x64xf32, #tpu.memory_space<vmem>>) dst(%dma_wait3A_130 : memref<8x16x12x64xf32, #tpu.memory_space<any>>)
    %dma_wait3A_136 = arith.constant 0 : i32
    %dma_wait3A_137 = arith.constant 0 : i32
    %dma_wait3A_138 = arith.constant 0 : i32
    %dma_wait3A_139 = tpu.memref_slice %arg2[%add3A_17, %dma_wait3A_136, %dma_wait3A_137, %dma_wait3A_138] : memref<1920x16x12x64xf32, #tpu.memory_space<any>> -> memref<8x16x12x64xf32, #tpu.memory_space<any>>
    %dma_wait3A_140 = arith.constant 0 : i32
    %dma_wait3A_141 = arith.constant 16 : i32
    %dma_wait3A_142 = arith.constant 0 : i32
    %dma_wait3A_143 = arith.constant 0 : i32
    %dma_wait3A_144 = tpu.memref_slice %arg1[%dma_wait3A_140, %dma_wait3A_141, %dma_wait3A_142, %dma_wait3A_143] : memref<8x80x12x64xf32, #tpu.memory_space<vmem>> -> memref<8x16x12x64xf32, #tpu.memory_space<vmem>>
    tpu.wait_dma2 semaphore(%arg4 : memref<!tpu.dma_semaphore, #tpu.memory_space<semaphore_mem>>) src(%dma_wait3A_144 : memref<8x16x12x64xf32, #tpu.memory_space<vmem>>) dst(%dma_wait3A_139 : memref<8x16x12x64xf32, #tpu.memory_space<any>>)
    %dma_wait3A_145 = arith.constant 0 : i32
    %dma_wait3A_146 = arith.constant 0 : i32
    %dma_wait3A_147 = arith.constant 0 : i32
    %dma_wait3A_148 = tpu.memref_slice %arg2[%add3A_32, %dma_wait3A_145, %dma_wait3A_146, %dma_wait3A_147] : memref<1920x16x12x64xf32, #tpu.memory_space<any>> -> memref<8x16x12x64xf32, #tpu.memory_space<any>>
    %dma_wait3A_149 = arith.constant 0 : i32
    %dma_wait3A_150 = arith.constant 32 : i32
    %dma_wait3A_151 = arith.constant 0 : i32
    %dma_wait3A_152 = arith.constant 0 : i32
    %dma_wait3A_153 = tpu.memref_slice %arg1[%dma_wait3A_149, %dma_wait3A_150, %dma_wait3A_151, %dma_wait3A_152] : memref<8x80x12x64xf32, #tpu.memory_space<vmem>> -> memref<8x16x12x64xf32, #tpu.memory_space<vmem>>
    tpu.wait_dma2 semaphore(%arg4 : memref<!tpu.dma_semaphore, #tpu.memory_space<semaphore_mem>>) src(%dma_wait3A_153 : memref<8x16x12x64xf32, #tpu.memory_space<vmem>>) dst(%dma_wait3A_148 : memref<8x16x12x64xf32, #tpu.memory_space<any>>)
    %dma_wait3A_154 = arith.constant 0 : i32
    %dma_wait3A_155 = arith.constant 0 : i32
    %dma_wait3A_156 = arith.constant 0 : i32
    %dma_wait3A_157 = tpu.memref_slice %arg2[%add3A_47, %dma_wait3A_154, %dma_wait3A_155, %dma_wait3A_156] : memref<1920x16x12x64xf32, #tpu.memory_space<any>> -> memref<8x16x12x64xf32, #tpu.memory_space<any>>
    %dma_wait3A_158 = arith.constant 0 : i32
    %dma_wait3A_159 = arith.constant 48 : i32
    %dma_wait3A_160 = arith.constant 0 : i32
    %dma_wait3A_161 = arith.constant 0 : i32
    %dma_wait3A_162 = tpu.memref_slice %arg1[%dma_wait3A_158, %dma_wait3A_159, %dma_wait3A_160, %dma_wait3A_161] : memref<8x80x12x64xf32, #tpu.memory_space<vmem>> -> memref<8x16x12x64xf32, #tpu.memory_space<vmem>>
    tpu.wait_dma2 semaphore(%arg4 : memref<!tpu.dma_semaphore, #tpu.memory_space<semaphore_mem>>) src(%dma_wait3A_162 : memref<8x16x12x64xf32, #tpu.memory_space<vmem>>) dst(%dma_wait3A_157 : memref<8x16x12x64xf32, #tpu.memory_space<any>>)
    %dma_wait3A_163 = arith.constant 0 : i32
    %dma_wait3A_164 = arith.constant 0 : i32
    %dma_wait3A_165 = arith.constant 0 : i32
    %dma_wait3A_166 = tpu.memref_slice %arg2[%add3A_62, %dma_wait3A_163, %dma_wait3A_164, %dma_wait3A_165] : memref<1920x16x12x64xf32, #tpu.memory_space<any>> -> memref<8x16x12x64xf32, #tpu.memory_space<any>>
    %dma_wait3A_167 = arith.constant 0 : i32
    %dma_wait3A_168 = arith.constant 64 : i32
    %dma_wait3A_169 = arith.constant 0 : i32
    %dma_wait3A_170 = arith.constant 0 : i32
    %dma_wait3A_171 = tpu.memref_slice %arg1[%dma_wait3A_167, %dma_wait3A_168, %dma_wait3A_169, %dma_wait3A_170] : memref<8x80x12x64xf32, #tpu.memory_space<vmem>> -> memref<8x16x12x64xf32, #tpu.memory_space<vmem>>
    tpu.wait_dma2 semaphore(%arg4 : memref<!tpu.dma_semaphore, #tpu.memory_space<semaphore_mem>>) src(%dma_wait3A_171 : memref<8x16x12x64xf32, #tpu.memory_space<vmem>>) dst(%dma_wait3A_166 : memref<8x16x12x64xf32, #tpu.memory_space<any>>)
    return
  }
  func.func @transform_0(%arg0: i32) -> (i32, i32, i32, i32) {
    %c0_i32 = arith.constant 0 : i32
    %c0_i32_0 = arith.constant 0 : i32
    %c0_i32_1 = arith.constant 0 : i32
    %c0_i32_2 = arith.constant 0 : i32
    return %arg0, %c0_i32, %c0_i32_0, %c0_i32_1 : i32, i32, i32, i32
  }
  func.func @transform_2(%arg0: i32) -> (i32, i32, i32) {
    %c0_i32 = arith.constant 0 : i32
    %c0_i32_0 = arith.constant 0 : i32
    %c0_i32_1 = arith.constant 0 : i32
    return %arg0, %c0_i32, %c0_i32_0 : i32, i32, i32
  }
}

module attributes {stable_mosaic.version = 14 : i64} {
  func.func @_permute_body(%arg0: i32, %arg1: memref<8x80x12x64xf32, #tpu.memory_space<vmem>>, %arg2: memref<1920x16x12x64xf32, #tpu.memory_space<any>>, %arg3: memref<!tpu.dma_semaphore, #tpu.memory_space<semaphore_mem>>) attributes {dimension_semantics = [#tpu.dimension_semantics<arbitrary>], iteration_bounds = array<i64: 48>, scalar_prefetch = 0 : i64, scratch_operands = 1 : i64, tpu.core_type = #tpu.core_type<tc>, window_params = [{transform_indices = @transform_0, window_bounds = array<i64: 8, 80, 12, 64>}, {}]} {
    %mul3A = arith.constant 8 : i32
    %mul3A_0 = arith.muli %arg0, %mul3A : i32
    %mul3A_1 = arith.constant 5 : i32
    %mul3A_2 = arith.muli %mul3A_0, %mul3A_1 : i32
    %add3A = arith.constant 0 : i32
    %add3A_3 = arith.addi %mul3A_2, %add3A : i32
    %dma_start3A = arith.constant 0 : i32
    %dma_start3A_4 = arith.constant 0 : i32
    %dma_start3A_5 = arith.constant 0 : i32
    %dma_start3A_6 = tpu.memref_slice %arg2[%add3A_3, %dma_start3A, %dma_start3A_4, %dma_start3A_5] : memref<1920x16x12x64xf32, #tpu.memory_space<any>> -> memref<8x16x12x64xf32, #tpu.memory_space<any>>
    %dma_start3A_7 = arith.constant 0 : i32
    %dma_start3A_8 = arith.constant 0 : i32
    %dma_start3A_9 = arith.constant 0 : i32
    %dma_start3A_10 = arith.constant 0 : i32
    %dma_start3A_11 = tpu.memref_slice %arg1[%dma_start3A_7, %dma_start3A_8, %dma_start3A_9, %dma_start3A_10] : memref<8x80x12x64xf32, #tpu.memory_space<vmem>> -> memref<8x16x12x64xf32, #tpu.memory_space<vmem>>
    tpu.enqueue_dma source(%dma_start3A_11 : memref<8x16x12x64xf32, #tpu.memory_space<vmem>>) target(%dma_start3A_6 : memref<8x16x12x64xf32, #tpu.memory_space<any>>) target_semaphore(%arg3 : memref<!tpu.dma_semaphore, #tpu.memory_space<semaphore_mem>>)
    %mul3A_12 = arith.constant 8 : i32
    %mul3A_13 = arith.muli %arg0, %mul3A_12 : i32
    %mul3A_14 = arith.constant 5 : i32
    %mul3A_15 = arith.muli %mul3A_13, %mul3A_14 : i32
    %add3A_16 = arith.constant 8 : i32
    %add3A_17 = arith.addi %mul3A_15, %add3A_16 : i32
    %dma_start3A_18 = arith.constant 0 : i32
    %dma_start3A_19 = arith.constant 0 : i32
    %dma_start3A_20 = arith.constant 0 : i32
    %dma_start3A_21 = tpu.memref_slice %arg2[%add3A_17, %dma_start3A_18, %dma_start3A_19, %dma_start3A_20] : memref<1920x16x12x64xf32, #tpu.memory_space<any>> -> memref<8x16x12x64xf32, #tpu.memory_space<any>>
    %dma_start3A_22 = arith.constant 0 : i32
    %dma_start3A_23 = arith.constant 16 : i32
    %dma_start3A_24 = arith.constant 0 : i32
    %dma_start3A_25 = arith.constant 0 : i32
    %dma_start3A_26 = tpu.memref_slice %arg1[%dma_start3A_22, %dma_start3A_23, %dma_start3A_24, %dma_start3A_25] : memref<8x80x12x64xf32, #tpu.memory_space<vmem>> -> memref<8x16x12x64xf32, #tpu.memory_space<vmem>>
    tpu.enqueue_dma source(%dma_start3A_26 : memref<8x16x12x64xf32, #tpu.memory_space<vmem>>) target(%dma_start3A_21 : memref<8x16x12x64xf32, #tpu.memory_space<any>>) target_semaphore(%arg3 : memref<!tpu.dma_semaphore, #tpu.memory_space<semaphore_mem>>)
    %mul3A_27 = arith.constant 8 : i32
    %mul3A_28 = arith.muli %arg0, %mul3A_27 : i32
    %mul3A_29 = arith.constant 5 : i32
    %mul3A_30 = arith.muli %mul3A_28, %mul3A_29 : i32
    %add3A_31 = arith.constant 16 : i32
    %add3A_32 = arith.addi %mul3A_30, %add3A_31 : i32
    %dma_start3A_33 = arith.constant 0 : i32
    %dma_start3A_34 = arith.constant 0 : i32
    %dma_start3A_35 = arith.constant 0 : i32
    %dma_start3A_36 = tpu.memref_slice %arg2[%add3A_32, %dma_start3A_33, %dma_start3A_34, %dma_start3A_35] : memref<1920x16x12x64xf32, #tpu.memory_space<any>> -> memref<8x16x12x64xf32, #tpu.memory_space<any>>
    %dma_start3A_37 = arith.constant 0 : i32
    %dma_start3A_38 = arith.constant 32 : i32
    %dma_start3A_39 = arith.constant 0 : i32
    %dma_start3A_40 = arith.constant 0 : i32
    %dma_start3A_41 = tpu.memref_slice %arg1[%dma_start3A_37, %dma_start3A_38, %dma_start3A_39, %dma_start3A_40] : memref<8x80x12x64xf32, #tpu.memory_space<vmem>> -> memref<8x16x12x64xf32, #tpu.memory_space<vmem>>
    tpu.enqueue_dma source(%dma_start3A_41 : memref<8x16x12x64xf32, #tpu.memory_space<vmem>>) target(%dma_start3A_36 : memref<8x16x12x64xf32, #tpu.memory_space<any>>) target_semaphore(%arg3 : memref<!tpu.dma_semaphore, #tpu.memory_space<semaphore_mem>>)
    %mul3A_42 = arith.constant 8 : i32
    %mul3A_43 = arith.muli %arg0, %mul3A_42 : i32
    %mul3A_44 = arith.constant 5 : i32
    %mul3A_45 = arith.muli %mul3A_43, %mul3A_44 : i32
    %add3A_46 = arith.constant 24 : i32
    %add3A_47 = arith.addi %mul3A_45, %add3A_46 : i32
    %dma_start3A_48 = arith.constant 0 : i32
    %dma_start3A_49 = arith.constant 0 : i32
    %dma_start3A_50 = arith.constant 0 : i32
    %dma_start3A_51 = tpu.memref_slice %arg2[%add3A_47, %dma_start3A_48, %dma_start3A_49, %dma_start3A_50] : memref<1920x16x12x64xf32, #tpu.memory_space<any>> -> memref<8x16x12x64xf32, #tpu.memory_space<any>>
    %dma_start3A_52 = arith.constant 0 : i32
    %dma_start3A_53 = arith.constant 48 : i32
    %dma_start3A_54 = arith.constant 0 : i32
    %dma_start3A_55 = arith.constant 0 : i32
    %dma_start3A_56 = tpu.memref_slice %arg1[%dma_start3A_52, %dma_start3A_53, %dma_start3A_54, %dma_start3A_55] : memref<8x80x12x64xf32, #tpu.memory_space<vmem>> -> memref<8x16x12x64xf32, #tpu.memory_space<vmem>>
    tpu.enqueue_dma source(%dma_start3A_56 : memref<8x16x12x64xf32, #tpu.memory_space<vmem>>) target(%dma_start3A_51 : memref<8x16x12x64xf32, #tpu.memory_space<any>>) target_semaphore(%arg3 : memref<!tpu.dma_semaphore, #tpu.memory_space<semaphore_mem>>)
    %mul3A_57 = arith.constant 8 : i32
    %mul3A_58 = arith.muli %arg0, %mul3A_57 : i32
    %mul3A_59 = arith.constant 5 : i32
    %mul3A_60 = arith.muli %mul3A_58, %mul3A_59 : i32
    %add3A_61 = arith.constant 32 : i32
    %add3A_62 = arith.addi %mul3A_60, %add3A_61 : i32
    %dma_start3A_63 = arith.constant 0 : i32
    %dma_start3A_64 = arith.constant 0 : i32
    %dma_start3A_65 = arith.constant 0 : i32
    %dma_start3A_66 = tpu.memref_slice %arg2[%add3A_62, %dma_start3A_63, %dma_start3A_64, %dma_start3A_65] : memref<1920x16x12x64xf32, #tpu.memory_space<any>> -> memref<8x16x12x64xf32, #tpu.memory_space<any>>
    %dma_start3A_67 = arith.constant 0 : i32
    %dma_start3A_68 = arith.constant 64 : i32
    %dma_start3A_69 = arith.constant 0 : i32
    %dma_start3A_70 = arith.constant 0 : i32
    %dma_start3A_71 = tpu.memref_slice %arg1[%dma_start3A_67, %dma_start3A_68, %dma_start3A_69, %dma_start3A_70] : memref<8x80x12x64xf32, #tpu.memory_space<vmem>> -> memref<8x16x12x64xf32, #tpu.memory_space<vmem>>
    tpu.enqueue_dma source(%dma_start3A_71 : memref<8x16x12x64xf32, #tpu.memory_space<vmem>>) target(%dma_start3A_66 : memref<8x16x12x64xf32, #tpu.memory_space<any>>) target_semaphore(%arg3 : memref<!tpu.dma_semaphore, #tpu.memory_space<semaphore_mem>>)
    %dma_wait3A = arith.constant 0 : i32
    %dma_wait3A_72 = arith.constant 0 : i32
    %dma_wait3A_73 = arith.constant 0 : i32
    %dma_wait3A_74 = tpu.memref_slice %arg2[%add3A_3, %dma_wait3A, %dma_wait3A_72, %dma_wait3A_73] : memref<1920x16x12x64xf32, #tpu.memory_space<any>> -> memref<8x16x12x64xf32, #tpu.memory_space<any>>
    %dma_wait3A_75 = arith.constant 0 : i32
    %dma_wait3A_76 = arith.constant 0 : i32
    %dma_wait3A_77 = arith.constant 0 : i32
    %dma_wait3A_78 = arith.constant 0 : i32
    %dma_wait3A_79 = tpu.memref_slice %arg1[%dma_wait3A_75, %dma_wait3A_76, %dma_wait3A_77, %dma_wait3A_78] : memref<8x80x12x64xf32, #tpu.memory_space<vmem>> -> memref<8x16x12x64xf32, #tpu.memory_space<vmem>>
    tpu.wait_dma2 semaphore(%arg3 : memref<!tpu.dma_semaphore, #tpu.memory_space<semaphore_mem>>) src(%dma_wait3A_79 : memref<8x16x12x64xf32, #tpu.memory_space<vmem>>) dst(%dma_wait3A_74 : memref<8x16x12x64xf32, #tpu.memory_space<any>>)
    %dma_wait3A_80 = arith.constant 0 : i32
    %dma_wait3A_81 = arith.constant 0 : i32
    %dma_wait3A_82 = arith.constant 0 : i32
    %dma_wait3A_83 = tpu.memref_slice %arg2[%add3A_17, %dma_wait3A_80, %dma_wait3A_81, %dma_wait3A_82] : memref<1920x16x12x64xf32, #tpu.memory_space<any>> -> memref<8x16x12x64xf32, #tpu.memory_space<any>>
    %dma_wait3A_84 = arith.constant 0 : i32
    %dma_wait3A_85 = arith.constant 16 : i32
    %dma_wait3A_86 = arith.constant 0 : i32
    %dma_wait3A_87 = arith.constant 0 : i32
    %dma_wait3A_88 = tpu.memref_slice %arg1[%dma_wait3A_84, %dma_wait3A_85, %dma_wait3A_86, %dma_wait3A_87] : memref<8x80x12x64xf32, #tpu.memory_space<vmem>> -> memref<8x16x12x64xf32, #tpu.memory_space<vmem>>
    tpu.wait_dma2 semaphore(%arg3 : memref<!tpu.dma_semaphore, #tpu.memory_space<semaphore_mem>>) src(%dma_wait3A_88 : memref<8x16x12x64xf32, #tpu.memory_space<vmem>>) dst(%dma_wait3A_83 : memref<8x16x12x64xf32, #tpu.memory_space<any>>)
    %dma_wait3A_89 = arith.constant 0 : i32
    %dma_wait3A_90 = arith.constant 0 : i32
    %dma_wait3A_91 = arith.constant 0 : i32
    %dma_wait3A_92 = tpu.memref_slice %arg2[%add3A_32, %dma_wait3A_89, %dma_wait3A_90, %dma_wait3A_91] : memref<1920x16x12x64xf32, #tpu.memory_space<any>> -> memref<8x16x12x64xf32, #tpu.memory_space<any>>
    %dma_wait3A_93 = arith.constant 0 : i32
    %dma_wait3A_94 = arith.constant 32 : i32
    %dma_wait3A_95 = arith.constant 0 : i32
    %dma_wait3A_96 = arith.constant 0 : i32
    %dma_wait3A_97 = tpu.memref_slice %arg1[%dma_wait3A_93, %dma_wait3A_94, %dma_wait3A_95, %dma_wait3A_96] : memref<8x80x12x64xf32, #tpu.memory_space<vmem>> -> memref<8x16x12x64xf32, #tpu.memory_space<vmem>>
    tpu.wait_dma2 semaphore(%arg3 : memref<!tpu.dma_semaphore, #tpu.memory_space<semaphore_mem>>) src(%dma_wait3A_97 : memref<8x16x12x64xf32, #tpu.memory_space<vmem>>) dst(%dma_wait3A_92 : memref<8x16x12x64xf32, #tpu.memory_space<any>>)
    %dma_wait3A_98 = arith.constant 0 : i32
    %dma_wait3A_99 = arith.constant 0 : i32
    %dma_wait3A_100 = arith.constant 0 : i32
    %dma_wait3A_101 = tpu.memref_slice %arg2[%add3A_47, %dma_wait3A_98, %dma_wait3A_99, %dma_wait3A_100] : memref<1920x16x12x64xf32, #tpu.memory_space<any>> -> memref<8x16x12x64xf32, #tpu.memory_space<any>>
    %dma_wait3A_102 = arith.constant 0 : i32
    %dma_wait3A_103 = arith.constant 48 : i32
    %dma_wait3A_104 = arith.constant 0 : i32
    %dma_wait3A_105 = arith.constant 0 : i32
    %dma_wait3A_106 = tpu.memref_slice %arg1[%dma_wait3A_102, %dma_wait3A_103, %dma_wait3A_104, %dma_wait3A_105] : memref<8x80x12x64xf32, #tpu.memory_space<vmem>> -> memref<8x16x12x64xf32, #tpu.memory_space<vmem>>
    tpu.wait_dma2 semaphore(%arg3 : memref<!tpu.dma_semaphore, #tpu.memory_space<semaphore_mem>>) src(%dma_wait3A_106 : memref<8x16x12x64xf32, #tpu.memory_space<vmem>>) dst(%dma_wait3A_101 : memref<8x16x12x64xf32, #tpu.memory_space<any>>)
    %dma_wait3A_107 = arith.constant 0 : i32
    %dma_wait3A_108 = arith.constant 0 : i32
    %dma_wait3A_109 = arith.constant 0 : i32
    %dma_wait3A_110 = tpu.memref_slice %arg2[%add3A_62, %dma_wait3A_107, %dma_wait3A_108, %dma_wait3A_109] : memref<1920x16x12x64xf32, #tpu.memory_space<any>> -> memref<8x16x12x64xf32, #tpu.memory_space<any>>
    %dma_wait3A_111 = arith.constant 0 : i32
    %dma_wait3A_112 = arith.constant 64 : i32
    %dma_wait3A_113 = arith.constant 0 : i32
    %dma_wait3A_114 = arith.constant 0 : i32
    %dma_wait3A_115 = tpu.memref_slice %arg1[%dma_wait3A_111, %dma_wait3A_112, %dma_wait3A_113, %dma_wait3A_114] : memref<8x80x12x64xf32, #tpu.memory_space<vmem>> -> memref<8x16x12x64xf32, #tpu.memory_space<vmem>>
    tpu.wait_dma2 semaphore(%arg3 : memref<!tpu.dma_semaphore, #tpu.memory_space<semaphore_mem>>) src(%dma_wait3A_115 : memref<8x16x12x64xf32, #tpu.memory_space<vmem>>) dst(%dma_wait3A_110 : memref<8x16x12x64xf32, #tpu.memory_space<any>>)
    return
  }
  func.func @transform_0(%arg0: i32) -> (i32, i32, i32, i32) {
    %c0_i32 = arith.constant 0 : i32
    %c0_i32_0 = arith.constant 0 : i32
    %c0_i32_1 = arith.constant 0 : i32
    %c0_i32_2 = arith.constant 0 : i32
    return %arg0, %c0_i32, %c0_i32_0, %c0_i32_1 : i32, i32, i32, i32
  }
}

module attributes {stable_mosaic.version = 14 : i64} {
  func.func @_attn_mask_body(%arg0: i32, %arg1: memref<1x240x64xf32, #tpu.memory_space<vmem>>, %arg2: memref<1x240x64xf32, #tpu.memory_space<vmem>>, %arg3: memref<1x240x240xi8, #tpu.memory_space<vmem>>) attributes {dimension_semantics = [#tpu.dimension_semantics<arbitrary>], iteration_bounds = array<i64: 12>, scalar_prefetch = 0 : i64, scratch_operands = 0 : i64, tpu.core_type = #tpu.core_type<tc>, window_params = [{transform_indices = @transform_0, window_bounds = array<i64: 1, 240, 64>}, {transform_indices = @transform_1, window_bounds = array<i64: 1, 240, 64>}, {transform_indices = @transform_2, window_bounds = array<i64: 1, 240, 240>}]} {
    %get3A = arith.constant 0 : index
    %get3A_0 = arith.constant 0 : index
    %get3A_1 = arith.constant 0 : index
    %get3A_2 = vector.load %arg1[%get3A, %get3A_0, %get3A_1] : memref<1x240x64xf32, #tpu.memory_space<vmem>>, vector<1x240x64xf32>
    %get3A_3 = vector.shape_cast %get3A_2 : vector<1x240x64xf32> to vector<240x64xf32>
    %get3A_4 = arith.constant 0 : index
    %get3A_5 = arith.constant 0 : index
    %get3A_6 = arith.constant 0 : index
    %get3A_7 = vector.load %arg2[%get3A_4, %get3A_5, %get3A_6] : memref<1x240x64xf32, #tpu.memory_space<vmem>>, vector<1x240x64xf32>
    %get3A_8 = vector.shape_cast %get3A_7 : vector<1x240x64xf32> to vector<240x64xf32>
    %dot_general3A = arith.constant dense<0.000000e+00> : vector<240x240xf32>
    %dot_general3A_9 = tpu.matmul %get3A_3, %get3A_8, %dot_general3A {dimension_numbers = #tpu.dot_dimension_numbers<[1], [1], [0], [0], [0, 0, 1, 0], [], []>, transpose_lhs_hint = false} : vector<240x64xf32>, vector<240x64xf32>, vector<240x240xf32> -> vector<240x240xf32>
    %mul3A = arith.constant 7.62939453E-6 : f32
    %mul3A_10 = vector.broadcast %mul3A : f32 to vector<240x240xf32>
    %mul3A_11 = arith.mulf %dot_general3A_9, %mul3A_10 : vector<240x240xf32>
    %reduce_max3A = arith.constant dense<0xFF800000> : vector<240xf32>
    %reduce_max3A_12 = vector.multi_reduction <maximumf>, %mul3A_11, %reduce_max3A [1] : vector<240x240xf32> to vector<240xf32>
    %broadcast_in_dim3A = vector.shape_cast %reduce_max3A_12 : vector<240xf32> to vector<240x1xf32>
    %sub3A = vector.broadcast %broadcast_in_dim3A : vector<240x1xf32> to vector<240x240xf32>
    %sub3A_13 = arith.subf %mul3A_11, %sub3A : vector<240x240xf32>
    %exp3A = math.exp %sub3A_13 : vector<240x240xf32>
    %reduce_sum3A = arith.constant dense<0.000000e+00> : vector<240xf32>
    %reduce_sum3A_14 = vector.multi_reduction <add>, %exp3A, %reduce_sum3A [1] : vector<240x240xf32> to vector<240xf32>
    %broadcast_in_dim3A_15 = vector.shape_cast %reduce_sum3A_14 : vector<240xf32> to vector<240x1xf32>
    %div3A = vector.broadcast %broadcast_in_dim3A_15 : vector<240x1xf32> to vector<240x240xf32>
    %div3A_16 = arith.divf %exp3A, %div3A : vector<240x240xf32>
    %bitcast_convert_type3A = tpu.bitcast %div3A_16 : vector<240x240xf32> -> vector<240x240xi32>
    %scan3A = arith.constant 0 : i32
    %scan3A_17 = arith.constant 0 : i32
    %scan3A_18 = arith.constant 31 : i32
    %scan3A_19 = arith.addi %scan3A_17, %scan3A_18 : i32
    %scan3A_20 = arith.constant 1 : i32
    %scan3A_21 = scf.for %scan3A_30 = %scan3A_17 to %scan3A_19 step %scan3A_20 iter_args(%scan3A_31 = %scan3A) -> (i32)  : i32 {
      %sub3A_32 = arith.constant 30 : i32
      %sub3A_33 = arith.subi %sub3A_32, %scan3A_30 : i32
      %shift_left3A = arith.constant 1 : i32
      %shift_left3A_34 = arith.shli %shift_left3A, %sub3A_33 : i32
      %or3A = arith.ori %scan3A_31, %shift_left3A_34 : i32
      %lt3A = vector.broadcast %or3A : i32 to vector<240x240xi32>
      %lt3A_35 = arith.cmpi slt, %bitcast_convert_type3A, %lt3A : vector<240x240xi32>
      %convert_element_type3A_36 = arith.extui %lt3A_35 : vector<240x240xi1> to vector<240x240xi32>
      %reduce_sum3A_37 = vector.shape_cast %convert_element_type3A_36 : vector<240x240xi32> to vector<1x240x240xi32>
      %reduce_sum3A_38 = arith.constant dense<0> : vector<1xi32>
      %reduce_sum3A_39 = vector.multi_reduction <add>, %reduce_sum3A_37, %reduce_sum3A_38 [1, 2] : vector<1x240x240xi32> to vector<1xi32>
      %reduce_sum3A_40 = vector.shape_cast %reduce_sum3A_39 : vector<1xi32> to vector<1x1x1xi32>
      %reduce_sum3A_41 = vector.extract %reduce_sum3A_40[0, 0, 0] : i32 from vector<1x1x1xi32>
      %lt3A_42 = arith.constant 51840 : i32
      %lt3A_43 = arith.cmpi slt, %reduce_sum3A_41, %lt3A_42 : i32
      %select_n3A = arith.select %lt3A_43, %or3A, %scan3A_31 : i32
      scf.yield %select_n3A : i32
    }
    %scan3A_22 = arith.constant 31 : i32
    %bitcast_convert_type3A_23 = arith.bitcast %scan3A_21 : i32 to f32
    %ge3A = vector.broadcast %bitcast_convert_type3A_23 : f32 to vector<240x240xf32>
    %ge3A_24 = arith.cmpf oge, %div3A_16, %ge3A : vector<240x240xf32>
    %convert_element_type3A = arith.extui %ge3A_24 : vector<240x240xi1> to vector<240x240xi8>
    %swap3A = arith.constant 0 : index
    %swap3A_25 = arith.constant 0 : index
    %swap3A_26 = arith.constant 0 : index
    %swap3A_27 = vector.load %arg3[%swap3A, %swap3A_25, %swap3A_26] : memref<1x240x240xi8, #tpu.memory_space<vmem>>, vector<1x240x240xi8>
    %swap3A_28 = vector.shape_cast %swap3A_27 : vector<1x240x240xi8> to vector<240x240xi8>
    %swap3A_29 = vector.shape_cast %convert_element_type3A : vector<240x240xi8> to vector<1x240x240xi8>
    tpu.vector_store %arg3[%swap3A, %swap3A_25, %swap3A_26], %swap3A_29 {strides = array<i32>} : memref<1x240x240xi8, #tpu.memory_space<vmem>>, vector<1x240x240xi8>,
    return
  }
  func.func @transform_0(%arg0: i32) -> (i32, i32, i32) {
    %c0_i32 = arith.constant 0 : i32
    %c0_i32_0 = arith.constant 0 : i32
    %c0_i32_1 = arith.constant 0 : i32
    return %arg0, %c0_i32, %c0_i32_0 : i32, i32, i32
  }
  func.func @transform_1(%arg0: i32) -> (i32, i32, i32) {
    %c0_i32 = arith.constant 0 : i32
    %c0_i32_0 = arith.constant 0 : i32
    %c0_i32_1 = arith.constant 0 : i32
    return %arg0, %c0_i32, %c0_i32_0 : i32, i32, i32
  }
  func.func @transform_2(%arg0: i32) -> (i32, i32, i32) {
    %c0_i32 = arith.constant 0 : i32
    %c0_i32_0 = arith.constant 0 : i32
    %c0_i32_1 = arith.constant 0 : i32
    return %arg0, %c0_i32, %c0_i32_0 : i32, i32, i32
  }
}

</mosaic_0001>

<sc_bundles>
// kernel: sparse-core-data-format-call.1.cloned.1.call-start
scs
called_computation.1_lowered:
.L_overlay_start_0:
0x0: {  	s2 =	sld [smem:$0x3FD9]  }
0x1: {  	s3 =	sld [smem:$0x3FFE];
	_ =	sdelay $0x1  }
0x2: {  	s1 =	srdreg.scid  }
0x3: {  	s0 =	sand.u32 $0x1, s1  }
0x4: {  	s16 =	sshll.u32 s0, $0xA;
	s2 =	sadd.s32 s3, s2  }
0x5: {  	s2 =	sadd.s32 s2, s16  }
0x6: {  	[smem:$0x3FC5] =	sst s2  }
0x7: {  	_ = 	snop  }
0x8: {  	s2 =	sld [smem:$0x3FD0];
	_ =	sdelay $0x2  }
0x9: {  	s17 =	simm.s32 $0xC;
	s4 =	simm.s32 $0x10  }
0xa: {  	[smem:s4], [sflag:s17] =	dma.local [hbm:s2], $0x1  }
0xb: {  	_ =	swait.eq [sflag:s17], $0x1  }
0xc: {  	[sflag:s17] =	ssyncset.done $0x0  }
0xd: {  	[sflag:s17] =	ssyncadd.s32 $0xFFFFFFFF  }
0xe: {  	s18 =	sld [smem:$0x11];
	(tm) =	ssettm $0x1  }
0xf: {  	s19 =	sld [smem:$0x3FFB];
	_ =	sdelay $0x3  }
0x10: {  	_ =	strace s19  }
0x11: {  	s2 =	sld [smem:$0x3FFC];
	_ =	sdelay $0x3  }
0x12: {  	_ =	strace s2  }
0x13: {  	s2 =	sld [smem:$0x3FFD];
	_ =	sdelay $0x3  }
0x14: {  	_ =	strace s2  }
0x15: {  	_ =	strace $0x8FFFFFFF  }
0x16: {  	s20 =	sld [smem:$0x3FDB];
	_ =	sdelay $0x1  }
0x17: {  	s21 =	simm.s32 $_scs_section_size  }
0x18: {  	s5 =	simm.s32 $_size__tile_overlayer_lowered;
	s6 =	simm.s32 $_tile_overlayer_lowered  }
0x19: {  	s7 =	simm.s32 $0x1BFF;
	s22 =	sshll.u32 s6, $0x1;
	s4 =	sadd.s32 s21, s20  }
0x1a: {  	s23 =	simm.s32 $0x0;
	s5 =	sshll.u32 s5, $0x1;
	s6 =	sadd.s32 s22, s4  }
0x1b: {  	[timem:s23], [sflag:s7] =	dma.local [hbm:s6], s5  }
0x1c: {  	_ =	swait.ge [sflag:s7], s5  }
0x1d: {  	s5 =	ssub.s32 $0x0, s5;
	[sflag:s7] =	ssyncset.done $0x0  }
0x1e: {  	[sflag:s7] =	ssyncadd.s32 s5;
	_ =	sdelay $0x1  }
0x1f: {  	s24 =	simm.s32 $0x1B8B  }
0x20: {  	_ =	swait.ge [sflag:s24], $0x1  }
0x21: {  	[sflag:s24] =	ssyncset.done $0x0  }
0x22: {  	[sflag:s24] =	ssyncadd.s32 $0xFFFFFFFF  }
0x23: {  	s5 =	sld [smem:$0x0]  }
0x24: {  	s6 =	sand.u32 $0xFFFFFFFE, s1  }
0x25: {  	p0 =	sne.s32 s1, s6  }
0x26: {  	s6 =	sshll.u32 @p0 s6, $0xE  }
0x27: {  	s6 =	sadd.s32 @p0 $0x11B8D, s6;
	s7 =	sshll.u32 @p0 s5, $0x11  }
0x28: {  	s6 =	sor.u32 @p0 s7, s6  }
0x29: {  	[sflag:s6] =	ssyncadd.remote.s32 @p0 $0x1;
	_ =	sdelay $0x1  }
0x2a: {  	s6 =	simm.s32 @p0 $0x1B8D  }
0x2b: {  	_ =	swait.eq @p0 [sflag:s6], $0x1  }
0x2c: {  	[sflag:s6] =	ssyncadd.s32 @p0 $0xFFFFFFFF  }
0x2d: {  	s7 =	sshll.u32 @!p0 s1, $0xE  }
0x2e: {  	s7 =	sor.u32 @!p0 $0x4000, s7;
	s6 =	simm.s32 @!p0 $0x1B8D  }
0x2f: {  	s5 =	sshll.u32 @!p0 s5, $0x11;
	s7 =	sadd.s32 @!p0 $0x11B8D, s7;
	_ =	swait.eq @!p0 [sflag:s6], $0x1  }
0x30: {  	s5 =	sor.u32 @!p0 s5, s7;
	[sflag:s6] =	ssyncadd.s32 @!p0 $0xFFFFFFFF  }
0x31: {  	s26 =	simm.s32 $0x1B8E;
	s25 =	sld [smem:$0x3FFE];
	[sflag:s5] =	ssyncadd.remote.s32 @!p0 $0x1  }
0x32: {  	s27 =	simm.s32 $execute0_lowered;
	[smem:$0x3FD2] =	sst s26  }
0x33: {  	s6 =	sshll.u32 s27, $0x1;
	_ =	strace $0x80000049;
	[dreg:$0x1] =	wrdreg $0xFFFFFFFF  }
0x34: {  	s28 =	simm.s32 $_size_execute0_lowered;
	s4 =	sadd.s32 s4, s6;
	[dreg:$0x0] =	wrdreg $0x0  }
0x35: {  	s6 =	sshll.u32 s28, $0x1;
	[dreg:$0x2] =	wrdreg s4  }
0x36: {  	[dreg:$0x3] =	wrdreg s6  }
0x37: {  	[dreg:$0x4] =	wrdreg $0xC0  }
0x38: {  	_ =	task [dreg:s23], $0x5FFFF  }
0x39: {  	[dreg:$0x1] =	wrdreg $0xFFFFFFFF  }
0x3a: {  	[dreg:$0x0] =	wrdreg $0x60  }
0x3b: {  	[dreg:$0x2] =	wrdreg s25  }
0x3c: {  	[dreg:$0x3] =	wrdreg s18  }
0x3d: {  	[dreg:$0x4] =	wrdreg $0xA  }
0x3e: {  	_ =	task.clear_ibuf [dreg:s23], $0x5FFFF;
	_ =	strace $0x90000049  }
0x3f: {  	s29 =	simm.s32 $0xA;
	_ =	strace $0x8000004B  }
0x40: {  	_ =	swait.ge [sflag:s29], $0x1  }
0x41: {  	[sflag:s29] =	ssyncadd.s32 $0xFFFFFFFF  }
0x42: {  	_ =	strace $0x9000004B  }
0x43: {  	_ =	sfence  }
0x44: {  	s30 =	sld [smem:$0x0];
	_ =	sdelay $0x2  }
0x45: {  	s31 =	sshll.u32 s1, $0xD;
	s1 =	sshrl.u32 s1, $0x2  }
0x46: {  	s4 =	sand.u32 $0x4000, s31;
	s1 =	sadd.s32 s1, s30  }
0x47: {  	s0 =	sor.u32 s4, s0;
	s1 =	sshll.u32 s1, $0x11  }
0x48: {  	s0 =	sor.u32 s1, s0  }
0x49: {  	s0 =	sadd.s32 $0x8F2B, s0  }
0x4a: {  	[sflag:s0] =	ssyncadd.remote.s32 $0x1  }
0x4b: {  	_ =	sfence.sel $0xFFFF  }
0x4c: {  	[dreg:$0x0] =	wrdreg $0xFFFFFFFF;
	(pc) =	sbr.abs _section_cstart, $3  }
0x4d: {  	[dreg:$0x1] =	wrdreg $0xFFFFFFFF  }
0x4e: {  	_ =	task.clear_ibuf [dreg:s23], $0x2FFFF;
	_ =	strace $0x9FFFFFFF  }
0x4f: {  	(tm) =	ssettm $0x7FFFFFFF  }
tec
execute0_lowered:
.L_overlay_start_1:
0x0: {  	(tag) =	ssettag $0x1  }
0x1: {  	s0 =	srdreg.scid  }
0x2: {  	s1 =	sshll.u32 s0, $0x4  }
0x3: {  	s0 =	stileid.u32;
	s1 =	sand.u32 $0x10, s1  }
0x4: {  	s1 =	sor.u32 s0, s1  }
0x5: {  	s6 =	rddreg [dreg:$0x0];
	s4 =	simm.s32 $0x1;
	s2 =	sshll.u32 s1, $0x7  }
0x6: {  	s7 =	simm.s32 $0x2;
	s12 =	simm.s32 $0x0;
	s1 =	ssub.s32 $0x7800, s2  }
0x7: {  	s8 =	simm.s32 $0x3C000;
	s13 =	simm.s32 $0x0;
	s3 =	sand.u32 $0xF80, s1  }
0x8: {  	s9 =	simm.s32 $0x0;
	s5 =	sshrl.u32 s1, $0xC;
	p0 =	sne.s32 s3, $0x0  }
.Ltmp0:
0x9: {  	s1 =	rddreg [dreg:$0x2];
	s4 =	simm.s32 @!p0 $0x0;
	(pc) =	sbr.rel .LBB1_1-.Ltmp0, $4  }
0xa: {  	s11 =	simm.s32 $0x0;
	s3 =	rddreg [dreg:$0x1];
	s5 =	sadd.s32 s4, s5  }
0xb: {  	_ =	strace $0x8000004A;
	s4 =	simm.s32 $0x1;
	s5 =	smul.u32 $0xC, s5  }
0xc: {  	s6 =	sadd.s32 $0x1681A00, s6;
	s10 =	smov.u32 s2;
	[sflag:s4] =	ssyncpa.u1 $0x0  }
0xd: {  	p0 =	por $0x0, $0x0;
	[sflag:s7] =	ssyncpa.u1 $0x0;
	s7 =	sor.u32 $0x1, s5  }
.LBB1_4:
0xe: {  	s16 =	sshll.u32 s13, $0x3  }
0xf: {  	s29 =	sand.u32 $0x7F, s13;
	s17 =	sand.u32 $0xFFFFFC00, s16  }
0x10: {  	s13 =	sor.u32 s29, s17  }
0x11: {  	s17 =	smulhi.u32 $0x88888889, s13  }
0x12: {  	s16 =	smulhi.u32 $0x88888889, s16  }
0x13: {  	s17 =	sshrl.u32 s17, $0xE  }
0x14: {  	s16 =	sshrl.u32 s16, $0xE;
	s17 =	smul.u32 $0x7800, s17  }
0x15: {  	s12 =	smul.u32 $0x3C000, s12;
	s16 =	sand.u32 $0x3F, s16  }
0x16: {  	s16 =	smul.u32 $0xF00, s16;
	s13 =	ssub.s32 s13, s17  }
0x17: {  	[tilespmem:s15+$0x810 ss:$0x81] =	vst.msk $0xffff, v2;
	s12 =	sadd.s32 s3, s12;
	s17 =	sand.u32 $0x7, s13  }
0x18: {  	[tilespmem:s15+$0x1020 ss:$0x81] =	vst.msk $0xffff, v0;
	s12 =	sadd.s32 s16, s12;
	s13 =	sshrl.u32 s13, $0x3;
	s30 =	sshll.u32 s17, $0x12  }
0x19: {  	[tilespmem:s15+$0x0 ss:$0x81] =	vst.msk $0xffff, v1;
	s12 =	sadd.s32 s13, s12;
	s31 =	sor.u32 $0x400, s30  }
0x1a: {  	[hbm4b:s12+s31] =	stream.strided.scatter [tilespmem:s14], [sflag:$0x2], $0x2000, s8, s31, $0x20;
	[tilespmem:$0x8080] =	vst v63  }
.LBB1_5:
0x1b: {  	s14 =	sadd.s32 $0x1, s9  }
0x1c: {  	s12 =	sadd.s32 $0x1000, s10;
	s16 =	smov.u32 s10;
	p2 =	sgt.s32 s14, $0xB  }
0x1d: {  	s16 =	smov.u32 @p2 s12  }
0x1e: {  	s14 =	simm.s32 @p2 $0x0;
	p2 =	sgt.s32 s16, $0x77FF  }
0x1f: {  	s16 =	smov.u32 @p2 s2;
	p2 =	sne.s32 s11, s7  }
.Ltmp1:
0x20: {  	p1 =	slt.u32 s11, $0x2;
	(pc) =	sbr.rel @!p2 .LBB1_6-.Ltmp1, $4  }
0x21: {  	s15 =	simm.s32 @!p1 $0x2  }
0x22: {  	s13 =	smov.u32 s10;
	p0 =	por !p0, !p0;
	_ =	swait.ge @!p1 [sflag:s15], $0x2000  }
0x23: {  	s12 =	smov.u32 s9;
	[sflag:s15] =	ssyncset.done @!p1 $0x0;
	s9 =	smov.u32 s14  }
0x24: {  	s11 =	sadd.s32 $0x1, s11;
	[sflag:s15] =	ssyncadd.s32 @!p1 $0xFFFFE000;
	s10 =	smov.u32 s16  }
.LBB1_1:
0x25: {  	p1 =	sge.u32 s11, s5  }
0x26: {  	s31 =	sadd.s32 $0xFFFFFFFF, s11;
	s14 =	sxor.u32 @!p1 $0xFFFFFFFF, s11  }
0x27: {  	s15 =	sshll.u32 @!p1 s10, $0x8;
	s16 =	sshll.u32 @!p1 s9, $0x4;
	s17 =	simm.s32 @!p1 $0x800  }
0x28: {  	s14 =	sshll.u32 @!p1 s14, $0xD;
	s16 =	sand.u32 @!p1 $0xF0, s16;
	s15 =	sadd.s32 @!p1 s6, s15  }
0x29: {  	s14 =	sand.u32 @!p1 $0x2000, s14;
	s15 =	sadd.s32 @!p1 s16, s15;
	s16 =	simm.s32 @!p1 $0x40  }
0x2a: {  	[tilespmem:s14], [sflag:$0x1] =	stream.strided.gather @!p1 [hbm4b:s15+s16], $0x2000, s17, s16, $0x38;
	[tilespmem:$0x8080] =	vst v63  }
0x2b: {  	p1 =	sge.u32 s31, s5  }
.Ltmp2:
0x2c: {  	_ = 	snop;
	(pc) =	sbr.rel @p1 .LBB1_5-.Ltmp2, $1  }
0x2d: {  	_ =	sdelay $0x3  }
0x2e: {  	s14 =	simm.s32 $0x1  }
0x2f: {  	_ =	swait.ge [sflag:s4], $0x2000;
	s14 =	simm.s32 @!p0 $0x0  }
0x30: {  	[sflag:s4] =	ssyncset.done $0x0;
	s15 =	sshll.u32 s14, $0xD  }
0x31: {  	[sflag:s4] =	ssyncadd.s32 $0xFFFFE000;
	s18 =	sor.u32 $0x20, s15  }
0x32: {  	s14 =	smul.u32 $0x8100, s14;
	v3 =	vld [tilespmem:s18+$0x10]  }
0x33: {  	s30 =	sand.u32 $0x1, s11;
	v2 =	vld [tilespmem:s18+$0xFFFFFFF0]  }
0x34: {  	s15 =	smul.u32 $0x8100, s30;
	s14 =	sshrl.u32 s14, $0x2;
	v0 =	vld [tilespmem:s18+$0x0]  }
0x35: {  	v1 =	vld [tilespmem:s18+$0xFFFFFFE0];
	s16 =	sor.u32 $0x4000, s14  }
0x36: {  	s31 =	sshrl.u32 s15, $0x2;
	s15 =	sadd.s32 $0x0, s16  }
0x37: {  	s17 =	simm.s32 $0x4;
	s18 =	sadd.s32 $0x40, s18;
	s14 =	sor.u32 $0x4000, s31;
	[tilespmem:s15+$0x1830 ss:$0x81] =	vst.msk $0xffff, v3  }
.LBB1_3:
0x38: {  	v3 =	vld [tilespmem:s18+$0x10];
	p1 =	sne.s32 s17, $0x1FC;
	[tilespmem:s15+$0x810 ss:$0x81] =	vst.msk $0xffff, v2;
	s19 =	smov.u32 s17;
	s17 =	sadd.s32 $0x4, s17  }
.Ltmp3:
0x39: {  	v2 =	vld [tilespmem:s18+$0xFFFFFFF0];
	[tilespmem:s15+$0x1020 ss:$0x81] =	vst.msk $0xffff, v0;
	(pc) =	sbr.rel @p1 .LBB1_3-.Ltmp3, $4  }
0x3a: {  	v0 =	vld [tilespmem:s18+$0x0];
	[tilespmem:s15+$0x0 ss:$0x81] =	vst.msk $0xffff, v1  }
0x3b: {  	s15 =	sshra.s32 s19, $0x2;
	v1 =	vld [tilespmem:s18+$0xFFFFFFE0]  }
0x3c: {  	s15 =	sadd.s32 s15, s16  }
0x3d: {  	s18 =	sadd.s32 $0x40, s18;
	[tilespmem:s15+$0x1830 ss:$0x81] =	vst.msk $0xffff, v3  }
.Ltmp4:
0x3e: {  	_ = 	snop;
	(pc) =	sbr.rel .LBB1_4-.Ltmp4, $1  }
0x3f: {  	_ =	sdelay $0x3  }
.LBB1_6:
0x40: {  	_ =	sfence.sel $0x180000  }
0x41: {  	s2 =	simm.s32 $0x1;
	[bflag:$0x0] =	sbarrier.arrive $0xFFFF  }
0x42: {  	s31 =	simm.s32 $0x2;
	[sflag:s2] =	ssyncpa.u1 $0x1  }
0x43: {  	[sflag:s31] =	ssyncpa.u1 $0x1  }
0x44: {  	p0 =	sne.s32 s0, $0x0;
	_ =	strace $0x9000004A  }
0x45: {  	s0 =	sadd.s32 @!p0 $0x100000, s1;
	[bflag:$0x2] =	sbarrier.arrive $0xFFFF  }
0x46: {  	[sflag:s0] =	ssyncadd.tile.s32 @!p0 $0x1;
	_ =	shalt  }
.Lfunc_end1:
_tile_overlayer_lowered:
.L_overlay_start_2:
0x47: {  	(tag) =	ssettag $0x2  }
0x48: {  	s0 =	rddreg [dreg:$0x0];
	s2 =	stileid.u32  }
0x49: {  	s1 =	rddreg [dreg:$0x1];
	p0 =	sne.s32 s2, $0x0  }
0x4a: {  	s3 =	rddreg [dreg:$0x2];
	[bflag:$0x3] =	sbarrier.arrive $0xFFFF;
	s2 =	simm.s32 @!p0 $0x1C01  }
0x4b: {  	[timem:s3], [sflag:s2] =	dma.local @!p0 [hbm:s0], s1  }
0x4c: {  	s0 =	simm.s32 @!p0 $0x1  }
0x4d: {  	_ =	swait.ge @!p0 [sflag:s0], s1  }
0x4e: {  	s1 =	ssub.s32 @!p0 $0x0, s1;
	[sflag:s0] =	ssyncset.done @!p0 $0x0  }
0x4f: {  	[sflag:s0] =	ssyncadd.s32 @!p0 s1  }
0x50: {  	[bflag:$0x3] =	sbarrier.arrive $0xFFFF  }
0x51: {  	_ =	shalt  }

// kernel: sparse-core-data-format-call.2.cloned.1.call-start
scs
called_computation.2_lowered:
.L_overlay_start_0:
0x0: {  	s2 =	sld [smem:$0x3FD9]  }
0x1: {  	s3 =	sld [smem:$0x3FFE];
	_ =	sdelay $0x1  }
0x2: {  	s1 =	srdreg.scid  }
0x3: {  	s0 =	sand.u32 $0x1, s1  }
0x4: {  	s15 =	sshll.u32 s0, $0xA;
	s2 =	sadd.s32 s3, s2  }
0x5: {  	s2 =	sadd.s32 s2, s15  }
0x6: {  	[smem:$0x3FC5] =	sst s2  }
0x7: {  	_ = 	snop  }
0x8: {  	s2 =	sld [smem:$0x3FD0];
	_ =	sdelay $0x2  }
0x9: {  	s16 =	simm.s32 $0xC;
	s4 =	simm.s32 $0x10  }
0xa: {  	[smem:s4], [sflag:s16] =	dma.local [hbm:s2], $0x1  }
0xb: {  	_ =	swait.eq [sflag:s16], $0x1  }
0xc: {  	[sflag:s16] =	ssyncset.done $0x0  }
0xd: {  	[sflag:s16] =	ssyncadd.s32 $0xFFFFFFFF  }
0xe: {  	s17 =	sld [smem:$0x10];
	(tm) =	ssettm $0x1  }
0xf: {  	s18 =	sld [smem:$0x3FFB];
	_ =	sdelay $0x3  }
0x10: {  	_ =	strace s18  }
0x11: {  	s3 =	sld [smem:$0x3FFC];
	_ =	sdelay $0x3  }
0x12: {  	_ =	strace s3  }
0x13: {  	s3 =	sld [smem:$0x3FFD];
	_ =	sdelay $0x3  }
0x14: {  	_ =	strace s3  }
0x15: {  	_ =	strace $0x8FFFFFFF  }
0x16: {  	s19 =	sld [smem:$0x3FDB];
	_ =	sdelay $0x1  }
0x17: {  	s20 =	simm.s32 $_scs_section_size  }
0x18: {  	s5 =	simm.s32 $_size__tile_overlayer_lowered;
	s6 =	simm.s32 $_tile_overlayer_lowered  }
0x19: {  	s23 =	simm.s32 $0x1BFF;
	s22 =	sshll.u32 s6, $0x1;
	s3 =	sadd.s32 s20, s19  }
0x1a: {  	s7 =	simm.s32 $0x0;
	s21 =	sshll.u32 s5, $0x1;
	s5 =	sadd.s32 s22, s3  }
0x1b: {  	[timem:s7], [sflag:s23] =	dma.local [hbm:s5], s21  }
0x1c: {  	_ =	swait.ge [sflag:s23], s21  }
0x1d: {  	s4 =	ssub.s32 $0x0, s21;
	[sflag:s23] =	ssyncset.done $0x0  }
0x1e: {  	[sflag:s23] =	ssyncadd.s32 s4;
	_ =	sdelay $0x1  }
0x1f: {  	s24 =	simm.s32 $0x1B8B  }
0x20: {  	_ =	swait.ge [sflag:s24], $0x1  }
0x21: {  	[sflag:s24] =	ssyncset.done $0x0  }
0x22: {  	s26 =	simm.s32 $0x1B8E;
	s25 =	sld [smem:$0x3FFE];
	[sflag:s24] =	ssyncadd.s32 $0xFFFFFFFF  }
0x23: {  	s27 =	simm.s32 $execute0_lowered;
	[smem:$0x3FD2] =	sst s26  }
0x24: {  	s5 =	sshll.u32 s27, $0x1;
	_ =	strace $0x80000046;
	[dreg:$0x1] =	wrdreg $0xFFFFFFFF  }
0x25: {  	s28 =	simm.s32 $_size_execute0_lowered;
	s3 =	sadd.s32 s3, s5;
	[dreg:$0x0] =	wrdreg $0x0  }
0x26: {  	s5 =	sshll.u32 s28, $0x1;
	[dreg:$0x2] =	wrdreg s3  }
0x27: {  	[dreg:$0x3] =	wrdreg s5  }
0x28: {  	[dreg:$0x4] =	wrdreg $0xC0  }
0x29: {  	_ =	task [dreg:s7], $0x5FFFF  }
0x2a: {  	[dreg:$0x1] =	wrdreg $0xFFFFFFFF  }
0x2b: {  	[dreg:$0x0] =	wrdreg $0x60  }
0x2c: {  	[dreg:$0x2] =	wrdreg s25  }
0x2d: {  	[dreg:$0x3] =	wrdreg s17  }
0x2e: {  	[dreg:$0x4] =	wrdreg $0xB  }
0x2f: {  	_ =	task.clear_ibuf [dreg:s7], $0x5FFFF;
	_ =	strace $0x90000046  }
0x30: {  	s29 =	simm.s32 $0xB;
	_ =	strace $0x80000048  }
0x31: {  	_ =	swait.ge [sflag:s29], $0x1  }
0x32: {  	[sflag:s29] =	ssyncadd.s32 $0xFFFFFFFF  }
0x33: {  	_ =	strace $0x90000048  }
0x34: {  	_ =	sfence  }
0x35: {  	s30 =	sld [smem:$0x0];
	_ =	sdelay $0x2  }
0x36: {  	s31 =	sshll.u32 s1, $0xD;
	s1 =	sshrl.u32 s1, $0x2  }
0x37: {  	s3 =	sand.u32 $0x4000, s31;
	s1 =	sadd.s32 s1, s30  }
0x38: {  	s0 =	sor.u32 s3, s0;
	s1 =	sshll.u32 s1, $0x11  }
0x39: {  	s0 =	sor.u32 s1, s0  }
0x3a: {  	s0 =	sadd.s32 $0x8F2B, s0  }
0x3b: {  	[sflag:s0] =	ssyncadd.remote.s32 $0x1  }
0x3c: {  	_ =	sfence.sel $0xFFFF  }
0x3d: {  	[dreg:$0x0] =	wrdreg $0xFFFFFFFF;
	(pc) =	sbr.abs _section_cstart, $3  }
0x3e: {  	[dreg:$0x1] =	wrdreg $0xFFFFFFFF  }
0x3f: {  	_ =	task.clear_ibuf [dreg:s7], $0x2FFFF;
	_ =	strace $0x9FFFFFFF  }
0x40: {  	(tm) =	ssettm $0x7FFFFFFF  }
0x41: {  	_ =	shalt  }
tec
execute0_lowered:
.L_overlay_start_1:
0x0: {  	(tag) =	ssettag $0x1  }
0x1: {  	s0 =	srdreg.scid  }
0x2: {  	s1 =	sshll.u32 s0, $0x4  }
0x3: {  	s0 =	stileid.u32;
	s1 =	sand.u32 $0x10, s1  }
0x4: {  	s1 =	sor.u32 s0, s1  }
0x5: {  	s6 =	rddreg [dreg:$0x0];
	s4 =	simm.s32 $0x1;
	s2 =	sshll.u32 s1, $0x7  }
0x6: {  	s7 =	simm.s32 $0x2;
	s12 =	simm.s32 $0x0;
	s1 =	ssub.s32 $0x7800, s2  }
0x7: {  	s8 =	simm.s32 $0x3C000;
	s13 =	simm.s32 $0x0;
	s3 =	sand.u32 $0xF80, s1  }
0x8: {  	s9 =	simm.s32 $0x0;
	s5 =	sshrl.u32 s1, $0xC;
	p0 =	sne.s32 s3, $0x0  }
.Ltmp0:
0x9: {  	s1 =	rddreg [dreg:$0x2];
	s4 =	simm.s32 @!p0 $0x0;
	(pc) =	sbr.rel .LBB1_1-.Ltmp0, $4  }
0xa: {  	s11 =	simm.s32 $0x0;
	s3 =	rddreg [dreg:$0x1];
	s5 =	sadd.s32 s4, s5  }
0xb: {  	_ =	strace $0x80000047;
	s4 =	simm.s32 $0x1;
	s5 =	smul.u32 $0xC, s5  }
0xc: {  	s6 =	sadd.s32 $0x781A00, s6;
	s10 =	smov.u32 s2;
	[sflag:s4] =	ssyncpa.u1 $0x0  }
0xd: {  	p0 =	por $0x0, $0x0;
	[sflag:s7] =	ssyncpa.u1 $0x0;
	s7 =	sor.u32 $0x1, s5  }
.LBB1_4:
0xe: {  	s16 =	sshll.u32 s13, $0x3  }
0xf: {  	s29 =	sand.u32 $0x7F, s13;
	s17 =	sand.u32 $0xFFFFFC00, s16  }
0x10: {  	s13 =	sor.u32 s29, s17  }
0x11: {  	s17 =	smulhi.u32 $0x88888889, s13  }
0x12: {  	s16 =	smulhi.u32 $0x88888889, s16  }
0x13: {  	s17 =	sshrl.u32 s17, $0xE  }
0x14: {  	s16 =	sshrl.u32 s16, $0xE;
	s17 =	smul.u32 $0x7800, s17  }
0x15: {  	s12 =	smul.u32 $0x3C000, s12;
	s16 =	sand.u32 $0x3F, s16  }
0x16: {  	s16 =	smul.u32 $0xF00, s16;
	s13 =	ssub.s32 s13, s17  }
0x17: {  	[tilespmem:s15+$0x810 ss:$0x81] =	vst.msk $0xffff, v2;
	s12 =	sadd.s32 s3, s12;
	s17 =	sand.u32 $0x7, s13  }
0x18: {  	[tilespmem:s15+$0x1020 ss:$0x81] =	vst.msk $0xffff, v0;
	s12 =	sadd.s32 s16, s12;
	s13 =	sshrl.u32 s13, $0x3;
	s30 =	sshll.u32 s17, $0x12  }
0x19: {  	[tilespmem:s15+$0x0 ss:$0x81] =	vst.msk $0xffff, v1;
	s12 =	sadd.s32 s13, s12;
	s31 =	sor.u32 $0x400, s30  }
0x1a: {  	[hbm4b:s12+s31] =	stream.strided.scatter [tilespmem:s14], [sflag:$0x2], $0x2000, s8, s31, $0x20;
	[tilespmem:$0x8080] =	vst v63  }
.LBB1_5:
0x1b: {  	s14 =	sadd.s32 $0x1, s9  }
0x1c: {  	s12 =	sadd.s32 $0x1000, s10;
	s16 =	smov.u32 s10;
	p2 =	sgt.s32 s14, $0xB  }
0x1d: {  	s16 =	smov.u32 @p2 s12  }
0x1e: {  	s14 =	simm.s32 @p2 $0x0;
	p2 =	sgt.s32 s16, $0x77FF  }
0x1f: {  	s16 =	smov.u32 @p2 s2;
	p2 =	sne.s32 s11, s7  }
.Ltmp1:
0x20: {  	p1 =	slt.u32 s11, $0x2;
	(pc) =	sbr.rel @!p2 .LBB1_6-.Ltmp1, $4  }
0x21: {  	s15 =	simm.s32 @!p1 $0x2  }
0x22: {  	s13 =	smov.u32 s10;
	p0 =	por !p0, !p0;
	_ =	swait.ge @!p1 [sflag:s15], $0x2000  }
0x23: {  	s12 =	smov.u32 s9;
	[sflag:s15] =	ssyncset.done @!p1 $0x0;
	s9 =	smov.u32 s14  }
0x24: {  	s11 =	sadd.s32 $0x1, s11;
	[sflag:s15] =	ssyncadd.s32 @!p1 $0xFFFFE000;
	s10 =	smov.u32 s16  }
.LBB1_1:
0x25: {  	p1 =	sge.u32 s11, s5  }
0x26: {  	s31 =	sadd.s32 $0xFFFFFFFF, s11;
	s14 =	sxor.u32 @!p1 $0xFFFFFFFF, s11  }
0x27: {  	s15 =	sshll.u32 @!p1 s10, $0x8;
	s16 =	sshll.u32 @!p1 s9, $0x4;
	s17 =	simm.s32 @!p1 $0x800  }
0x28: {  	s14 =	sshll.u32 @!p1 s14, $0xD;
	s16 =	sand.u32 @!p1 $0xF0, s16;
	s15 =	sadd.s32 @!p1 s6, s15  }
0x29: {  	s14 =	sand.u32 @!p1 $0x2000, s14;
	s15 =	sadd.s32 @!p1 s16, s15;
	s16 =	simm.s32 @!p1 $0x40  }
0x2a: {  	[tilespmem:s14], [sflag:$0x1] =	stream.strided.gather @!p1 [hbm4b:s15+s16], $0x2000, s17, s16, $0x38;
	[tilespmem:$0x8080] =	vst v63  }
0x2b: {  	p1 =	sge.u32 s31, s5  }
.Ltmp2:
0x2c: {  	_ = 	snop;
	(pc) =	sbr.rel @p1 .LBB1_5-.Ltmp2, $1  }
0x2d: {  	_ =	sdelay $0x3  }
0x2e: {  	s14 =	simm.s32 $0x1  }
0x2f: {  	_ =	swait.ge [sflag:s4], $0x2000;
	s14 =	simm.s32 @!p0 $0x0  }
0x30: {  	[sflag:s4] =	ssyncset.done $0x0;
	s15 =	sshll.u32 s14, $0xD  }
0x31: {  	[sflag:s4] =	ssyncadd.s32 $0xFFFFE000;
	s18 =	sor.u32 $0x20, s15  }
0x32: {  	s14 =	smul.u32 $0x8100, s14;
	v3 =	vld [tilespmem:s18+$0x10]  }
0x33: {  	s30 =	sand.u32 $0x1, s11;
	v2 =	vld [tilespmem:s18+$0xFFFFFFF0]  }
0x34: {  	s15 =	smul.u32 $0x8100, s30;
	s14 =	sshrl.u32 s14, $0x2;
	v0 =	vld [tilespmem:s18+$0x0]  }
0x35: {  	v1 =	vld [tilespmem:s18+$0xFFFFFFE0];
	s16 =	sor.u32 $0x4000, s14  }
0x36: {  	s31 =	sshrl.u32 s15, $0x2;
	s15 =	sadd.s32 $0x0, s16  }
0x37: {  	s17 =	simm.s32 $0x4;
	s18 =	sadd.s32 $0x40, s18;
	s14 =	sor.u32 $0x4000, s31;
	[tilespmem:s15+$0x1830 ss:$0x81] =	vst.msk $0xffff, v3  }
.LBB1_3:
0x38: {  	v3 =	vld [tilespmem:s18+$0x10];
	p1 =	sne.s32 s17, $0x1FC;
	[tilespmem:s15+$0x810 ss:$0x81] =	vst.msk $0xffff, v2;
	s19 =	smov.u32 s17;
	s17 =	sadd.s32 $0x4, s17  }
.Ltmp3:
0x39: {  	v2 =	vld [tilespmem:s18+$0xFFFFFFF0];
	[tilespmem:s15+$0x1020 ss:$0x81] =	vst.msk $0xffff, v0;
	(pc) =	sbr.rel @p1 .LBB1_3-.Ltmp3, $4  }
0x3a: {  	v0 =	vld [tilespmem:s18+$0x0];
	[tilespmem:s15+$0x0 ss:$0x81] =	vst.msk $0xffff, v1  }
0x3b: {  	s15 =	sshra.s32 s19, $0x2;
	v1 =	vld [tilespmem:s18+$0xFFFFFFE0]  }
0x3c: {  	s15 =	sadd.s32 s15, s16  }
0x3d: {  	s18 =	sadd.s32 $0x40, s18;
	[tilespmem:s15+$0x1830 ss:$0x81] =	vst.msk $0xffff, v3  }
.Ltmp4:
0x3e: {  	_ = 	snop;
	(pc) =	sbr.rel .LBB1_4-.Ltmp4, $1  }
0x3f: {  	_ =	sdelay $0x3  }
.LBB1_6:
0x40: {  	_ =	sfence.sel $0x180000  }
0x41: {  	s2 =	simm.s32 $0x1;
	[bflag:$0x0] =	sbarrier.arrive $0xFFFF  }
0x42: {  	s31 =	simm.s32 $0x2;
	[sflag:s2] =	ssyncpa.u1 $0x1  }
0x43: {  	[sflag:s31] =	ssyncpa.u1 $0x1  }
0x44: {  	p0 =	sne.s32 s0, $0x0;
	_ =	strace $0x90000047  }
0x45: {  	s0 =	sadd.s32 @!p0 $0x100000, s1;
	[bflag:$0x2] =	sbarrier.arrive $0xFFFF  }
0x46: {  	[sflag:s0] =	ssyncadd.tile.s32 @!p0 $0x1;
	_ =	shalt  }
.Lfunc_end1:
_tile_overlayer_lowered:
.L_overlay_start_2:
0x47: {  	(tag) =	ssettag $0x2  }
0x48: {  	s0 =	rddreg [dreg:$0x0];
	s2 =	stileid.u32  }
0x49: {  	s1 =	rddreg [dreg:$0x1];
	p0 =	sne.s32 s2, $0x0  }
0x4a: {  	s3 =	rddreg [dreg:$0x2];
	[bflag:$0x3] =	sbarrier.arrive $0xFFFF;
	s2 =	simm.s32 @!p0 $0x1C01  }
0x4b: {  	[timem:s3], [sflag:s2] =	dma.local @!p0 [hbm:s0], s1  }
0x4c: {  	s0 =	simm.s32 @!p0 $0x1  }
0x4d: {  	_ =	swait.ge @!p0 [sflag:s0], s1  }
0x4e: {  	s1 =	ssub.s32 @!p0 $0x0, s1;
	[sflag:s0] =	ssyncset.done @!p0 $0x0  }
0x4f: {  	[sflag:s0] =	ssyncadd.s32 @!p0 s1  }
0x50: {  	[bflag:$0x3] =	sbarrier.arrive $0xFFFF  }
0x51: {  	_ =	shalt  }

// kernel: sparse-core-data-format-call.cloned.1.call-start
scs
called_computation_lowered:
.L_overlay_start_0:
0x0: {  	s2 =	sld [smem:$0x3FD9]  }
0x1: {  	s3 =	sld [smem:$0x3FFE];
	_ =	sdelay $0x1  }
0x2: {  	s1 =	srdreg.scid  }
0x3: {  	s0 =	sand.u32 $0x1, s1  }
0x4: {  	s16 =	sshll.u32 s0, $0xA;
	s2 =	sadd.s32 s3, s2  }
0x5: {  	s2 =	sadd.s32 s2, s16  }
0x6: {  	[smem:$0x3FC5] =	sst s2  }
0x7: {  	_ = 	snop  }
0x8: {  	s2 =	sld [smem:$0x3FD0];
	_ =	sdelay $0x2  }
0x9: {  	s17 =	simm.s32 $0xC;
	s4 =	simm.s32 $0x10  }
0xa: {  	[smem:s4], [sflag:s17] =	dma.local [hbm:s2], $0x1  }
0xb: {  	_ =	swait.eq [sflag:s17], $0x1  }
0xc: {  	[sflag:s17] =	ssyncset.done $0x0  }
0xd: {  	[sflag:s17] =	ssyncadd.s32 $0xFFFFFFFF  }
0xe: {  	s18 =	sld [smem:$0x12];
	(tm) =	ssettm $0x1  }
0xf: {  	s19 =	sld [smem:$0x3FFB];
	_ =	sdelay $0x3  }
0x10: {  	_ =	strace s19  }
0x11: {  	s2 =	sld [smem:$0x3FFC];
	_ =	sdelay $0x3  }
0x12: {  	_ =	strace s2  }
0x13: {  	s2 =	sld [smem:$0x3FFD];
	_ =	sdelay $0x3  }
0x14: {  	_ =	strace s2  }
0x15: {  	_ =	strace $0x8FFFFFFF  }
0x16: {  	s20 =	sld [smem:$0x3FDB];
	_ =	sdelay $0x1  }
0x17: {  	s21 =	simm.s32 $_scs_section_size  }
0x18: {  	s5 =	simm.s32 $_size__tile_overlayer_lowered;
	s6 =	simm.s32 $_tile_overlayer_lowered  }
0x19: {  	s7 =	simm.s32 $0x1BFF;
	s22 =	sshll.u32 s6, $0x1;
	s4 =	sadd.s32 s21, s20  }
0x1a: {  	s23 =	simm.s32 $0x0;
	s5 =	sshll.u32 s5, $0x1;
	s6 =	sadd.s32 s22, s4  }
0x1b: {  	[timem:s23], [sflag:s7] =	dma.local [hbm:s6], s5  }
0x1c: {  	_ =	swait.ge [sflag:s7], s5  }
0x1d: {  	s5 =	ssub.s32 $0x0, s5;
	[sflag:s7] =	ssyncset.done $0x0  }
0x1e: {  	[sflag:s7] =	ssyncadd.s32 s5;
	_ =	sdelay $0x1  }
0x1f: {  	s24 =	simm.s32 $0x1B8B  }
0x20: {  	_ =	swait.ge [sflag:s24], $0x1  }
0x21: {  	[sflag:s24] =	ssyncset.done $0x0  }
0x22: {  	[sflag:s24] =	ssyncadd.s32 $0xFFFFFFFF  }
0x23: {  	s5 =	sld [smem:$0x0]  }
0x24: {  	s6 =	sand.u32 $0xFFFFFFFE, s1  }
0x25: {  	p0 =	sne.s32 s1, s6  }
0x26: {  	s6 =	sshll.u32 @p0 s6, $0xE  }
0x27: {  	s6 =	sadd.s32 @p0 $0x11B8D, s6;
	s7 =	sshll.u32 @p0 s5, $0x11  }
0x28: {  	s6 =	sor.u32 @p0 s7, s6  }
0x29: {  	[sflag:s6] =	ssyncadd.remote.s32 @p0 $0x1;
	_ =	sdelay $0x1  }
0x2a: {  	s6 =	simm.s32 @p0 $0x1B8D  }
0x2b: {  	_ =	swait.eq @p0 [sflag:s6], $0x1  }
0x2c: {  	[sflag:s6] =	ssyncadd.s32 @p0 $0xFFFFFFFF  }
0x2d: {  	s7 =	sshll.u32 @!p0 s1, $0xE  }
0x2e: {  	s7 =	sor.u32 @!p0 $0x4000, s7;
	s6 =	simm.s32 @!p0 $0x1B8D  }
0x2f: {  	s5 =	sshll.u32 @!p0 s5, $0x11;
	s7 =	sadd.s32 @!p0 $0x11B8D, s7;
	_ =	swait.eq @!p0 [sflag:s6], $0x1  }
0x30: {  	s5 =	sor.u32 @!p0 s5, s7;
	[sflag:s6] =	ssyncadd.s32 @!p0 $0xFFFFFFFF  }
0x31: {  	s26 =	simm.s32 $0x1B8E;
	s25 =	sld [smem:$0x3FFE];
	[sflag:s5] =	ssyncadd.remote.s32 @!p0 $0x1  }
0x32: {  	s27 =	simm.s32 $execute0_lowered;
	[smem:$0x3FD2] =	sst s26  }
0x33: {  	s6 =	sshll.u32 s27, $0x1;
	_ =	strace $0x8000004C;
	[dreg:$0x1] =	wrdreg $0xFFFFFFFF  }
0x34: {  	s28 =	simm.s32 $_size_execute0_lowered;
	s4 =	sadd.s32 s4, s6;
	[dreg:$0x0] =	wrdreg $0x0  }
0x35: {  	s6 =	sshll.u32 s28, $0x1;
	[dreg:$0x2] =	wrdreg s4  }
0x36: {  	[dreg:$0x3] =	wrdreg s6  }
0x37: {  	[dreg:$0x4] =	wrdreg $0xC0  }
0x38: {  	_ =	task [dreg:s23], $0x5FFFF  }
0x39: {  	[dreg:$0x1] =	wrdreg $0xFFFFFFFF  }
0x3a: {  	[dreg:$0x0] =	wrdreg $0x60  }
0x3b: {  	[dreg:$0x2] =	wrdreg s25  }
0x3c: {  	[dreg:$0x3] =	wrdreg s18  }
0x3d: {  	[dreg:$0x4] =	wrdreg $0x9  }
0x3e: {  	_ =	task.clear_ibuf [dreg:s23], $0x5FFFF;
	_ =	strace $0x9000004C  }
0x3f: {  	s29 =	simm.s32 $0x9;
	_ =	strace $0x8000004E  }
0x40: {  	_ =	swait.ge [sflag:s29], $0x1  }
0x41: {  	[sflag:s29] =	ssyncadd.s32 $0xFFFFFFFF  }
0x42: {  	_ =	strace $0x9000004E  }
0x43: {  	_ =	sfence  }
0x44: {  	s30 =	sld [smem:$0x0];
	_ =	sdelay $0x2  }
0x45: {  	s31 =	sshll.u32 s1, $0xD;
	s1 =	sshrl.u32 s1, $0x2  }
0x46: {  	s4 =	sand.u32 $0x4000, s31;
	s1 =	sadd.s32 s1, s30  }
0x47: {  	s0 =	sor.u32 s4, s0;
	s1 =	sshll.u32 s1, $0x11  }
0x48: {  	s0 =	sor.u32 s1, s0  }
0x49: {  	s0 =	sadd.s32 $0x8F2B, s0  }
0x4a: {  	[sflag:s0] =	ssyncadd.remote.s32 $0x1  }
0x4b: {  	_ =	sfence.sel $0xFFFF  }
0x4c: {  	[dreg:$0x0] =	wrdreg $0xFFFFFFFF;
	(pc) =	sbr.abs _section_cstart, $3  }
0x4d: {  	[dreg:$0x1] =	wrdreg $0xFFFFFFFF  }
0x4e: {  	_ =	task.clear_ibuf [dreg:s23], $0x2FFFF;
	_ =	strace $0x9FFFFFFF  }
0x4f: {  	(tm) =	ssettm $0x7FFFFFFF  }
tec
execute0_lowered:
.L_overlay_start_1:
0x0: {  	(tag) =	ssettag $0x1  }
0x1: {  	s0 =	srdreg.scid  }
0x2: {  	s1 =	sshll.u32 s0, $0x4  }
0x3: {  	s0 =	stileid.u32;
	s1 =	sand.u32 $0x10, s1  }
0x4: {  	s1 =	sor.u32 s0, s1  }
0x5: {  	s6 =	rddreg [dreg:$0x0];
	s4 =	simm.s32 $0x1;
	s2 =	sshll.u32 s1, $0x7  }
0x6: {  	s7 =	simm.s32 $0x2;
	s12 =	simm.s32 $0x0;
	s1 =	ssub.s32 $0x7800, s2  }
0x7: {  	s8 =	simm.s32 $0x3C000;
	s13 =	simm.s32 $0x0;
	s3 =	sand.u32 $0xF80, s1  }
0x8: {  	s9 =	simm.s32 $0x0;
	s5 =	sshrl.u32 s1, $0xC;
	p0 =	sne.s32 s3, $0x0  }
.Ltmp0:
0x9: {  	s1 =	rddreg [dreg:$0x2];
	s4 =	simm.s32 @!p0 $0x0;
	(pc) =	sbr.rel .LBB1_1-.Ltmp0, $4  }
0xa: {  	s11 =	simm.s32 $0x0;
	s3 =	rddreg [dreg:$0x1];
	s5 =	sadd.s32 s4, s5  }
0xb: {  	_ =	strace $0x8000004D;
	s4 =	simm.s32 $0x1;
	s5 =	smul.u32 $0xC, s5  }
0xc: {  	s6 =	sadd.s32 $0x1E01A00, s6;
	s10 =	smov.u32 s2;
	[sflag:s4] =	ssyncpa.u1 $0x0  }
0xd: {  	p0 =	por $0x0, $0x0;
	[sflag:s7] =	ssyncpa.u1 $0x0;
	s7 =	sor.u32 $0x1, s5  }
.LBB1_4:
0xe: {  	s16 =	sshll.u32 s13, $0x3  }
0xf: {  	s29 =	sand.u32 $0x7F, s13;
	s17 =	sand.u32 $0xFFFFFC00, s16  }
0x10: {  	s13 =	sor.u32 s29, s17  }
0x11: {  	s17 =	smulhi.u32 $0x88888889, s13  }
0x12: {  	s16 =	smulhi.u32 $0x88888889, s16  }
0x13: {  	s17 =	sshrl.u32 s17, $0xE  }
0x14: {  	s16 =	sshrl.u32 s16, $0xE;
	s17 =	smul.u32 $0x7800, s17  }
0x15: {  	s12 =	smul.u32 $0x3C000, s12;
	s16 =	sand.u32 $0x3F, s16  }
0x16: {  	s16 =	smul.u32 $0xF00, s16;
	s13 =	ssub.s32 s13, s17  }
0x17: {  	[tilespmem:s15+$0x810 ss:$0x81] =	vst.msk $0xffff, v2;
	s12 =	sadd.s32 s3, s12;
	s17 =	sand.u32 $0x7, s13  }
0x18: {  	[tilespmem:s15+$0x1020 ss:$0x81] =	vst.msk $0xffff, v0;
	s12 =	sadd.s32 s16, s12;
	s13 =	sshrl.u32 s13, $0x3;
	s30 =	sshll.u32 s17, $0x12  }
0x19: {  	[tilespmem:s15+$0x0 ss:$0x81] =	vst.msk $0xffff, v1;
	s12 =	sadd.s32 s13, s12;
	s31 =	sor.u32 $0x400, s30  }
0x1a: {  	[hbm4b:s12+s31] =	stream.strided.scatter [tilespmem:s14], [sflag:$0x2], $0x2000, s8, s31, $0x20;
	[tilespmem:$0x8080] =	vst v63  }
.LBB1_5:
0x1b: {  	s14 =	sadd.s32 $0x1, s9  }
0x1c: {  	s12 =	sadd.s32 $0x1000, s10;
	s16 =	smov.u32 s10;
	p2 =	sgt.s32 s14, $0xB  }
0x1d: {  	s16 =	smov.u32 @p2 s12  }
0x1e: {  	s14 =	simm.s32 @p2 $0x0;
	p2 =	sgt.s32 s16, $0x77FF  }
0x1f: {  	s16 =	smov.u32 @p2 s2;
	p2 =	sne.s32 s11, s7  }
.Ltmp1:
0x20: {  	p1 =	slt.u32 s11, $0x2;
	(pc) =	sbr.rel @!p2 .LBB1_6-.Ltmp1, $4  }
0x21: {  	s15 =	simm.s32 @!p1 $0x2  }
0x22: {  	s13 =	smov.u32 s10;
	p0 =	por !p0, !p0;
	_ =	swait.ge @!p1 [sflag:s15], $0x2000  }
0x23: {  	s12 =	smov.u32 s9;
	[sflag:s15] =	ssyncset.done @!p1 $0x0;
	s9 =	smov.u32 s14  }
0x24: {  	s11 =	sadd.s32 $0x1, s11;
	[sflag:s15] =	ssyncadd.s32 @!p1 $0xFFFFE000;
	s10 =	smov.u32 s16  }
.LBB1_1:
0x25: {  	p1 =	sge.u32 s11, s5  }
0x26: {  	s31 =	sadd.s32 $0xFFFFFFFF, s11;
	s14 =	sxor.u32 @!p1 $0xFFFFFFFF, s11  }
0x27: {  	s15 =	sshll.u32 @!p1 s10, $0x8;
	s16 =	sshll.u32 @!p1 s9, $0x4;
	s17 =	simm.s32 @!p1 $0x800  }
0x28: {  	s14 =	sshll.u32 @!p1 s14, $0xD;
	s16 =	sand.u32 @!p1 $0xF0, s16;
	s15 =	sadd.s32 @!p1 s6, s15  }
0x29: {  	s14 =	sand.u32 @!p1 $0x2000, s14;
	s15 =	sadd.s32 @!p1 s16, s15;
	s16 =	simm.s32 @!p1 $0x40  }
0x2a: {  	[tilespmem:s14], [sflag:$0x1] =	stream.strided.gather @!p1 [hbm4b:s15+s16], $0x2000, s17, s16, $0x38;
	[tilespmem:$0x8080] =	vst v63  }
0x2b: {  	p1 =	sge.u32 s31, s5  }
.Ltmp2:
0x2c: {  	_ = 	snop;
	(pc) =	sbr.rel @p1 .LBB1_5-.Ltmp2, $1  }
0x2d: {  	_ =	sdelay $0x3  }
0x2e: {  	s14 =	simm.s32 $0x1  }
0x2f: {  	_ =	swait.ge [sflag:s4], $0x2000;
	s14 =	simm.s32 @!p0 $0x0  }
0x30: {  	[sflag:s4] =	ssyncset.done $0x0;
	s15 =	sshll.u32 s14, $0xD  }
0x31: {  	[sflag:s4] =	ssyncadd.s32 $0xFFFFE000;
	s18 =	sor.u32 $0x20, s15  }
0x32: {  	s14 =	smul.u32 $0x8100, s14;
	v3 =	vld [tilespmem:s18+$0x10]  }
0x33: {  	s30 =	sand.u32 $0x1, s11;
	v2 =	vld [tilespmem:s18+$0xFFFFFFF0]  }
0x34: {  	s15 =	smul.u32 $0x8100, s30;
	s14 =	sshrl.u32 s14, $0x2;
	v0 =	vld [tilespmem:s18+$0x0]  }
0x35: {  	v1 =	vld [tilespmem:s18+$0xFFFFFFE0];
	s16 =	sor.u32 $0x4000, s14  }
0x36: {  	s31 =	sshrl.u32 s15, $0x2;
	s15 =	sadd.s32 $0x0, s16  }
0x37: {  	s17 =	simm.s32 $0x4;
	s18 =	sadd.s32 $0x40, s18;
	s14 =	sor.u32 $0x4000, s31;
	[tilespmem:s15+$0x1830 ss:$0x81] =	vst.msk $0xffff, v3  }
.LBB1_3:
0x38: {  	v3 =	vld [tilespmem:s18+$0x10];
	p1 =	sne.s32 s17, $0x1FC;
	[tilespmem:s15+$0x810 ss:$0x81] =	vst.msk $0xffff, v2;
	s19 =	smov.u32 s17;
	s17 =	sadd.s32 $0x4, s17  }
.Ltmp3:
0x39: {  	v2 =	vld [tilespmem:s18+$0xFFFFFFF0];
	[tilespmem:s15+$0x1020 ss:$0x81] =	vst.msk $0xffff, v0;
	(pc) =	sbr.rel @p1 .LBB1_3-.Ltmp3, $4  }
0x3a: {  	v0 =	vld [tilespmem:s18+$0x0];
	[tilespmem:s15+$0x0 ss:$0x81] =	vst.msk $0xffff, v1  }
0x3b: {  	s15 =	sshra.s32 s19, $0x2;
	v1 =	vld [tilespmem:s18+$0xFFFFFFE0]  }
0x3c: {  	s15 =	sadd.s32 s15, s16  }
0x3d: {  	s18 =	sadd.s32 $0x40, s18;
	[tilespmem:s15+$0x1830 ss:$0x81] =	vst.msk $0xffff, v3  }
.Ltmp4:
0x3e: {  	_ = 	snop;
	(pc) =	sbr.rel .LBB1_4-.Ltmp4, $1  }
0x3f: {  	_ =	sdelay $0x3  }
.LBB1_6:
0x40: {  	_ =	sfence.sel $0x180000  }
0x41: {  	s2 =	simm.s32 $0x1;
	[bflag:$0x0] =	sbarrier.arrive $0xFFFF  }
0x42: {  	s31 =	simm.s32 $0x2;
	[sflag:s2] =	ssyncpa.u1 $0x1  }
0x43: {  	[sflag:s31] =	ssyncpa.u1 $0x1  }
0x44: {  	p0 =	sne.s32 s0, $0x0;
	_ =	strace $0x9000004D  }
0x45: {  	s0 =	sadd.s32 @!p0 $0x100000, s1;
	[bflag:$0x2] =	sbarrier.arrive $0xFFFF  }
0x46: {  	[sflag:s0] =	ssyncadd.tile.s32 @!p0 $0x1;
	_ =	shalt  }
.Lfunc_end1:
_tile_overlayer_lowered:
.L_overlay_start_2:
0x47: {  	(tag) =	ssettag $0x2  }
0x48: {  	s0 =	rddreg [dreg:$0x0];
	s2 =	stileid.u32  }
0x49: {  	s1 =	rddreg [dreg:$0x1];
	p0 =	sne.s32 s2, $0x0  }
0x4a: {  	s3 =	rddreg [dreg:$0x2];
	[bflag:$0x3] =	sbarrier.arrive $0xFFFF;
	s2 =	simm.s32 @!p0 $0x1C01  }
0x4b: {  	[timem:s3], [sflag:s2] =	dma.local @!p0 [hbm:s0], s1  }
0x4c: {  	s0 =	simm.s32 @!p0 $0x1  }
0x4d: {  	_ =	swait.ge @!p0 [sflag:s0], s1  }
0x4e: {  	s1 =	ssub.s32 @!p0 $0x0, s1;
	[sflag:s0] =	ssyncset.done @!p0 $0x0  }
0x4f: {  	[sflag:s0] =	ssyncadd.s32 @!p0 s1  }
0x50: {  	[bflag:$0x3] =	sbarrier.arrive $0xFFFF  }
0x51: {  	_ =	shalt  }

</sc_bundles>
